<compile_context>
chip_gen: v7x
topology: tpu7x:2x2x1
jax: 0.10.2.dev20260603
libtpu: 0.0.44.dev20260713+nightly
codegen_flags: <defaults>
</compile_context>

<pallas_src>
import functools

import jax
import jax.numpy as jnp
from jax import lax
from jax.experimental import pallas as pl
from jax.experimental.pallas import tpu as pltpu
from jax.experimental.pallas import tpu_sc as plsc

BATCH = 4096
VOCAB = 1000
DIM = 128
LANES = 16

_info = plsc.get_sparse_core_info()
_NC, _NS = _info.num_cores, _info.num_subcores
_NW = _NC * _NS
_B_PER_W = BATCH // _NW
_CHUNKS = (8, 24, 40, 56)
_NB = len(_CHUNKS)

_mesh = plsc.VectorSubcoreMesh(core_axis_name="c", subcore_axis_name="s")


@functools.partial(
    pl.kernel,
    mesh=_mesh,
    out_type=jax.ShapeDtypeStruct((BATCH, 2, DIM), jnp.float32),
    scratch_types=(
        [
            pltpu.VMEM((_B_PER_W,), jnp.int32),
            pltpu.VMEM((_B_PER_W,), jnp.int32),
            pltpu.VMEM((_B_PER_W, 1, DIM), jnp.float32),
            pltpu.VMEM((_B_PER_W, 1, DIM), jnp.float32),
            pltpu.VMEM((DIM,), jnp.float32),
            pltpu.VMEM((DIM,), jnp.float32),
        ]
        + [pltpu.SemaphoreType.DMA] * (4 * _NB + 3)
    ),
)
def _ctx_emb_kernel(sess_idx_hbm, subj_idx_hbm, sess_tab_hbm, subj_tab_hbm,
                    sess_flag_hbm, subj_flag_hbm, out_hbm,
                    idx_s, idx_b, rows_s, rows_b, flag_s, flag_b, *sems):
    sem_s = sems[0:_NB]
    sem_b = sems[_NB:2 * _NB]
    sem_os = sems[2 * _NB:3 * _NB]
    sem_ob = sems[3 * _NB:4 * _NB]
    sem_f = sems[4 * _NB]
    sem_is = sems[4 * _NB + 1]
    sem_ib = sems[4 * _NB + 2]

    wid = lax.axis_index("s") * _NC + lax.axis_index("c")
    base = wid * _B_PER_W

    cp_fs = pltpu.async_copy(sess_flag_hbm, flag_s, sem_f)
    cp_fb = pltpu.async_copy(subj_flag_hbm, flag_b, sem_f)
    cp_is = pltpu.async_copy(
        sess_idx_hbm.at[pl.ds(base, _B_PER_W)], idx_s, sem_is)
    cp_ib = pltpu.async_copy(
        subj_idx_hbm.at[pl.ds(base, _B_PER_W)], idx_b, sem_ib)
    cp_is.wait()
    cp_ib.wait()

    offs = [sum(_CHUNKS[:k]) for k in range(_NB)]
    cp_s = []
    cp_b = []
    for k, (off, n) in enumerate(zip(offs, _CHUNKS)):
        r = pl.ds(off, n)
        cp_s.append(pltpu.async_copy(
            sess_tab_hbm.at[idx_s.at[r]], rows_s.at[r], sem_s[k]))
        cp_b.append(pltpu.async_copy(
            subj_tab_hbm.at[idx_b.at[r]], rows_b.at[r], sem_b[k]))

    cp_fs.wait()
    cp_fb.wait()
    fs = [flag_s[pl.ds(i * LANES, LANES)] for i in range(DIM // LANES)]
    fb = [flag_b[pl.ds(i * LANES, LANES)] for i in range(DIM // LANES)]

    cp_o = []
    for k, (off, n) in enumerate(zip(offs, _CHUNKS)):
        r = pl.ds(off, n)
        ro = pl.ds(base + off, n)

        cp_s[k].wait()

        @plsc.parallel_loop(off, off + n, unroll=1)
        def _body_s(i):
            for c in range(DIM // LANES):
                d = pl.ds(c * LANES, LANES)
                plsc.addupdate(rows_s.at[i, 0, d], fs[c])

        cp_o.append(pltpu.async_copy(
            rows_s.at[r], out_hbm.at[ro, pl.ds(0, 1)], sem_os[k]))

        cp_b[k].wait()

        @plsc.parallel_loop(off, off + n, unroll=1)
        def _body_b(i):
            for c in range(DIM // LANES):
                d = pl.ds(c * LANES, LANES)
                plsc.addupdate(rows_b.at[i, 0, d], fb[c])

        cp_o.append(pltpu.async_copy(
            rows_b.at[r], out_hbm.at[ro, pl.ds(1, 1)], sem_ob[k]))

    for cp in cp_o:
        cp.wait()


def kernel(session_idx, subject_idx, session_table, subject_table,
           session_flag, subject_flag):
    return _ctx_emb_kernel(
        session_idx, subject_idx,
        session_table.reshape(VOCAB, 1, DIM),
        subject_table.reshape(VOCAB, 1, DIM),
        session_flag, subject_flag)

# --- scband reference (transcript-rebuilt; emitter-appended) ---
"""Pipeline reference for scband-context-manager-7627861917856 (READ-ONLY COPY).

The authoritative reference and input builder live on the scoring server;
editing this copy changes nothing except your own understanding.
"""

import jax, jax.numpy as jnp
import numpy as np

BATCH = 4096
VOCAB = 1000
DIM = 128


def setup_inputs(seed: int = 0) -> dict:
    key = jax.random.key(seed)
    k1, k2, k3, k4, k5, k6 = jax.random.split(key, 6)
    session_idx = jax.random.randint(k1, (BATCH,), 0, VOCAB)
    subject_idx = jax.random.randint(k2, (BATCH,), 0, VOCAB)
    # Learned parameters: InfiniteVocabEmbedding ~ embedding table with init_scale=1.0,
    # plus a per-key flag vector initialized randn(dim)/sqrt(dim).
    session_table = jax.random.normal(k3, (VOCAB, DIM), dtype=jnp.float32)
    subject_table = jax.random.normal(k4, (VOCAB, DIM), dtype=jnp.float32)
    session_flag = jax.random.normal(k5, (DIM,), dtype=jnp.float32) / np.sqrt(DIM)
    subject_flag = jax.random.normal(k6, (DIM,), dtype=jnp.float32) / np.sqrt(DIM)
    return {
        "session_idx": session_idx,
        "subject_idx": subject_idx,
        "session_table": session_table,
        "subject_table": subject_table,
        "session_flag": session_flag,
        "subject_flag": subject_flag,
    }


def reference(session_idx, subject_idx, session_table, subject_table, session_flag, subject_flag):
    # For each ctx key: emb(token) + flag, cast to target dtype (float32 here),
    # then stack along dim=1 -> [B, n_keys, dim]
    session_emb = jnp.take(session_table, session_idx, axis=0) + session_flag
    subject_emb = jnp.take(subject_table, subject_idx, axis=0) + subject_flag
    ctx_emb = jnp.stack([session_emb.astype(jnp.float32), subject_emb.astype(jnp.float32)], axis=1)
    return ctx_emb

if __name__ == "__main__":
    import jax
    _d = setup_inputs()
    print(jax.jit(kernel)(*tuple(_d.values())))

</pallas_src>

<mosaic_0001>
#map = affine_map<(d0, d1) -> (0)>
#map1 = affine_map<(d0, d1) -> (0, 0, 0)>
module attributes {stable_mosaic.version = 14 : i64} {
  func.func @_ctx_emb_kernel(%arg0: i32, %arg1: i32, %arg2: memref<4096xi32, #tpu.memory_space<hbm>>, %arg3: memref<4096xi32, #tpu.memory_space<hbm>>, %arg4: memref<1000x1x128xf32, #tpu.memory_space<hbm>>, %arg5: memref<1000x1x128xf32, #tpu.memory_space<hbm>>, %arg6: memref<128xf32, #tpu.memory_space<hbm>>, %arg7: memref<128xf32, #tpu.memory_space<hbm>>, %arg8: memref<4096x2x128xf32, #tpu.memory_space<hbm>>, %arg9: memref<128xi32, #tpu.memory_space<vmem>>, %arg10: memref<128xi32, #tpu.memory_space<vmem>>, %arg11: memref<128x1x128xf32, #tpu.memory_space<vmem>>, %arg12: memref<128x1x128xf32, #tpu.memory_space<vmem>>, %arg13: memref<128xf32, #tpu.memory_space<vmem>>, %arg14: memref<128xf32, #tpu.memory_space<vmem>>, %arg15: memref<!tpu.dma_semaphore, #tpu.memory_space<semaphore_mem>>, %arg16: memref<!tpu.dma_semaphore, #tpu.memory_space<semaphore_mem>>, %arg17: memref<!tpu.dma_semaphore, #tpu.memory_space<semaphore_mem>>, %arg18: memref<!tpu.dma_semaphore, #tpu.memory_space<semaphore_mem>>, %arg19: memref<!tpu.dma_semaphore, #tpu.memory_space<semaphore_mem>>, %arg20: memref<!tpu.dma_semaphore, #tpu.memory_space<semaphore_mem>>, %arg21: memref<!tpu.dma_semaphore, #tpu.memory_space<semaphore_mem>>, %arg22: memref<!tpu.dma_semaphore, #tpu.memory_space<semaphore_mem>>, %arg23: memref<!tpu.dma_semaphore, #tpu.memory_space<semaphore_mem>>, %arg24: memref<!tpu.dma_semaphore, #tpu.memory_space<semaphore_mem>>, %arg25: memref<!tpu.dma_semaphore, #tpu.memory_space<semaphore_mem>>, %arg26: memref<!tpu.dma_semaphore, #tpu.memory_space<semaphore_mem>>, %arg27: memref<!tpu.dma_semaphore, #tpu.memory_space<semaphore_mem>>, %arg28: memref<!tpu.dma_semaphore, #tpu.memory_space<semaphore_mem>>, %arg29: memref<!tpu.dma_semaphore, #tpu.memory_space<semaphore_mem>>, %arg30: memref<!tpu.dma_semaphore, #tpu.memory_space<semaphore_mem>>, %arg31: memref<!tpu.dma_semaphore, #tpu.memory_space<semaphore_mem>>, %arg32: memref<!tpu.dma_semaphore, #tpu.memory_space<semaphore_mem>>, %arg33: memref<!tpu.dma_semaphore, #tpu.memory_space<semaphore_mem>>) attributes {dimension_semantics = [#tpu.dimension_semantics<core_parallel>, #tpu.dimension_semantics<subcore_parallel>], iteration_bounds = array<i64: 2, 16>, scalar_prefetch = 0 : i64, scratch_operands = 25 : i64, tpu.core_type = #tpu.core_type<sc_vector_subcore>, window_params = [{transform_indices = #map}, {transform_indices = #map}, {transform_indices = #map1}, {transform_indices = #map1}, {transform_indices = #map}, {transform_indices = #map}, {transform_indices = #map1}]} {
    %mul3A = arith.constant 2 : i32
    %mul3A_0 = arith.muli %arg1, %mul3A : i32
    %add3A = arith.addi %mul3A_0, %arg0 : i32
    %mul3A_1 = arith.constant 128 : i32
    %mul3A_2 = arith.muli %add3A, %mul3A_1 : i32
    tpu.enqueue_dma source(%arg6 : memref<128xf32, #tpu.memory_space<hbm>>) target(%arg13 : memref<128xf32, #tpu.memory_space<vmem>>) target_semaphore(%arg31 : memref<!tpu.dma_semaphore, #tpu.memory_space<semaphore_mem>>)
    tpu.enqueue_dma source(%arg7 : memref<128xf32, #tpu.memory_space<hbm>>) target(%arg14 : memref<128xf32, #tpu.memory_space<vmem>>) target_semaphore(%arg31 : memref<!tpu.dma_semaphore, #tpu.memory_space<semaphore_mem>>)
    %dma_start3A = tpu.memref_slice %arg2[%mul3A_2] : memref<4096xi32, #tpu.memory_space<hbm>> -> memref<128xi32, #tpu.memory_space<hbm>>
    %dma_start3A_3 = tpu.memref_slice %arg2[%mul3A_2] : memref<4096xi32, #tpu.memory_space<hbm>> -> memref<128xi32, #tpu.memory_space<hbm>>
    tpu.enqueue_dma source(%dma_start3A_3 : memref<128xi32, #tpu.memory_space<hbm>>) target(%arg9 : memref<128xi32, #tpu.memory_space<vmem>>) target_semaphore(%arg32 : memref<!tpu.dma_semaphore, #tpu.memory_space<semaphore_mem>>)
    %dma_start3A_4 = tpu.memref_slice %arg3[%mul3A_2] : memref<4096xi32, #tpu.memory_space<hbm>> -> memref<128xi32, #tpu.memory_space<hbm>>
    %dma_start3A_5 = tpu.memref_slice %arg3[%mul3A_2] : memref<4096xi32, #tpu.memory_space<hbm>> -> memref<128xi32, #tpu.memory_space<hbm>>
    tpu.enqueue_dma source(%dma_start3A_5 : memref<128xi32, #tpu.memory_space<hbm>>) target(%arg10 : memref<128xi32, #tpu.memory_space<vmem>>) target_semaphore(%arg33 : memref<!tpu.dma_semaphore, #tpu.memory_space<semaphore_mem>>)
    %dma_wait3A = tpu.memref_slice %arg2[%mul3A_2] : memref<4096xi32, #tpu.memory_space<hbm>> -> memref<128xi32, #tpu.memory_space<hbm>>
    %dma_wait3A_6 = tpu.memref_slice %arg2[%mul3A_2] : memref<4096xi32, #tpu.memory_space<hbm>> -> memref<128xi32, #tpu.memory_space<hbm>>
    tpu.wait_dma2 semaphore(%arg32 : memref<!tpu.dma_semaphore, #tpu.memory_space<semaphore_mem>>) src(%dma_wait3A_6 : memref<128xi32, #tpu.memory_space<hbm>>) dst(%arg9 : memref<128xi32, #tpu.memory_space<vmem>>)
    %dma_wait3A_7 = tpu.memref_slice %arg3[%mul3A_2] : memref<4096xi32, #tpu.memory_space<hbm>> -> memref<128xi32, #tpu.memory_space<hbm>>
    %dma_wait3A_8 = tpu.memref_slice %arg3[%mul3A_2] : memref<4096xi32, #tpu.memory_space<hbm>> -> memref<128xi32, #tpu.memory_space<hbm>>
    tpu.wait_dma2 semaphore(%arg33 : memref<!tpu.dma_semaphore, #tpu.memory_space<semaphore_mem>>) src(%dma_wait3A_8 : memref<128xi32, #tpu.memory_space<hbm>>) dst(%arg10 : memref<128xi32, #tpu.memory_space<vmem>>)
    %dma_start3A_9 = arith.constant 0 : i32
    %dma_start3A_10 = arith.constant 0 : i32
    %dma_start3A_11 = arith.constant 0 : i32
    %dma_start3A_12 = tpu.memref_slice %arg11[%dma_start3A_9, %dma_start3A_10, %dma_start3A_11] : memref<128x1x128xf32, #tpu.memory_space<vmem>> -> memref<8x1x128xf32, #tpu.memory_space<vmem>>
    %dma_start3A_13 = arith.constant 0 : i32
    %dma_start3A_14 = tpu.memref_slice %arg9[%dma_start3A_13] : memref<128xi32, #tpu.memory_space<vmem>> -> memref<8xi32, #tpu.memory_space<vmem>>
    %dma_start3A_15 = arith.constant 0 : i32
    %dma_start3A_16 = arith.constant 0 : i32
    %dma_start3A_17 = arith.constant 0 : i32
    %dma_start3A_18 = tpu.memref_slice %arg4[%dma_start3A_15, %dma_start3A_16, %dma_start3A_17] : memref<1000x1x128xf32, #tpu.memory_space<hbm>> -> memref<1000x1x128xf32, #tpu.memory_space<hbm>>
    tpu.enqueue_indirect_dma source(%dma_start3A_18 : memref<1000x1x128xf32, #tpu.memory_space<hbm>>) target(%dma_start3A_12 : memref<8x1x128xf32, #tpu.memory_space<vmem>>) offsets(%dma_start3A_14 : memref<8xi32, #tpu.memory_space<vmem>>) semaphore(%arg15 : memref<!tpu.dma_semaphore, #tpu.memory_space<semaphore_mem>>)
    %dma_start3A_19 = arith.constant 0 : i32
    %dma_start3A_20 = arith.constant 0 : i32
    %dma_start3A_21 = arith.constant 0 : i32
    %dma_start3A_22 = tpu.memref_slice %arg12[%dma_start3A_19, %dma_start3A_20, %dma_start3A_21] : memref<128x1x128xf32, #tpu.memory_space<vmem>> -> memref<8x1x128xf32, #tpu.memory_space<vmem>>
    %dma_start3A_23 = arith.constant 0 : i32
    %dma_start3A_24 = tpu.memref_slice %arg10[%dma_start3A_23] : memref<128xi32, #tpu.memory_space<vmem>> -> memref<8xi32, #tpu.memory_space<vmem>>
    %dma_start3A_25 = arith.constant 0 : i32
    %dma_start3A_26 = arith.constant 0 : i32
    %dma_start3A_27 = arith.constant 0 : i32
    %dma_start3A_28 = tpu.memref_slice %arg5[%dma_start3A_25, %dma_start3A_26, %dma_start3A_27] : memref<1000x1x128xf32, #tpu.memory_space<hbm>> -> memref<1000x1x128xf32, #tpu.memory_space<hbm>>
    tpu.enqueue_indirect_dma source(%dma_start3A_28 : memref<1000x1x128xf32, #tpu.memory_space<hbm>>) target(%dma_start3A_22 : memref<8x1x128xf32, #tpu.memory_space<vmem>>) offsets(%dma_start3A_24 : memref<8xi32, #tpu.memory_space<vmem>>) semaphore(%arg19 : memref<!tpu.dma_semaphore, #tpu.memory_space<semaphore_mem>>)
    %dma_start3A_29 = arith.constant 8 : i32
    %dma_start3A_30 = arith.constant 0 : i32
    %dma_start3A_31 = arith.constant 0 : i32
    %dma_start3A_32 = tpu.memref_slice %arg11[%dma_start3A_29, %dma_start3A_30, %dma_start3A_31] : memref<128x1x128xf32, #tpu.memory_space<vmem>> -> memref<24x1x128xf32, #tpu.memory_space<vmem>>
    %dma_start3A_33 = arith.constant 8 : i32
    %dma_start3A_34 = tpu.memref_slice %arg9[%dma_start3A_33] : memref<128xi32, #tpu.memory_space<vmem>> -> memref<24xi32, #tpu.memory_space<vmem>>
    %dma_start3A_35 = arith.constant 0 : i32
    %dma_start3A_36 = arith.constant 0 : i32
    %dma_start3A_37 = arith.constant 0 : i32
    %dma_start3A_38 = tpu.memref_slice %arg4[%dma_start3A_35, %dma_start3A_36, %dma_start3A_37] : memref<1000x1x128xf32, #tpu.memory_space<hbm>> -> memref<1000x1x128xf32, #tpu.memory_space<hbm>>
    tpu.enqueue_indirect_dma source(%dma_start3A_38 : memref<1000x1x128xf32, #tpu.memory_space<hbm>>) target(%dma_start3A_32 : memref<24x1x128xf32, #tpu.memory_space<vmem>>) offsets(%dma_start3A_34 : memref<24xi32, #tpu.memory_space<vmem>>) semaphore(%arg16 : memref<!tpu.dma_semaphore, #tpu.memory_space<semaphore_mem>>)
    %dma_start3A_39 = arith.constant 8 : i32
    %dma_start3A_40 = arith.constant 0 : i32
    %dma_start3A_41 = arith.constant 0 : i32
    %dma_start3A_42 = tpu.memref_slice %arg12[%dma_start3A_39, %dma_start3A_40, %dma_start3A_41] : memref<128x1x128xf32, #tpu.memory_space<vmem>> -> memref<24x1x128xf32, #tpu.memory_space<vmem>>
    %dma_start3A_43 = arith.constant 8 : i32
    %dma_start3A_44 = tpu.memref_slice %arg10[%dma_start3A_43] : memref<128xi32, #tpu.memory_space<vmem>> -> memref<24xi32, #tpu.memory_space<vmem>>
    %dma_start3A_45 = arith.constant 0 : i32
    %dma_start3A_46 = arith.constant 0 : i32
    %dma_start3A_47 = arith.constant 0 : i32
    %dma_start3A_48 = tpu.memref_slice %arg5[%dma_start3A_45, %dma_start3A_46, %dma_start3A_47] : memref<1000x1x128xf32, #tpu.memory_space<hbm>> -> memref<1000x1x128xf32, #tpu.memory_space<hbm>>
    tpu.enqueue_indirect_dma source(%dma_start3A_48 : memref<1000x1x128xf32, #tpu.memory_space<hbm>>) target(%dma_start3A_42 : memref<24x1x128xf32, #tpu.memory_space<vmem>>) offsets(%dma_start3A_44 : memref<24xi32, #tpu.memory_space<vmem>>) semaphore(%arg20 : memref<!tpu.dma_semaphore, #tpu.memory_space<semaphore_mem>>)
    %dma_start3A_49 = arith.constant 32 : i32
    %dma_start3A_50 = arith.constant 0 : i32
    %dma_start3A_51 = arith.constant 0 : i32
    %dma_start3A_52 = tpu.memref_slice %arg11[%dma_start3A_49, %dma_start3A_50, %dma_start3A_51] : memref<128x1x128xf32, #tpu.memory_space<vmem>> -> memref<40x1x128xf32, #tpu.memory_space<vmem>>
    %dma_start3A_53 = arith.constant 32 : i32
    %dma_start3A_54 = tpu.memref_slice %arg9[%dma_start3A_53] : memref<128xi32, #tpu.memory_space<vmem>> -> memref<40xi32, #tpu.memory_space<vmem>>
    %dma_start3A_55 = arith.constant 0 : i32
    %dma_start3A_56 = arith.constant 0 : i32
    %dma_start3A_57 = arith.constant 0 : i32
    %dma_start3A_58 = tpu.memref_slice %arg4[%dma_start3A_55, %dma_start3A_56, %dma_start3A_57] : memref<1000x1x128xf32, #tpu.memory_space<hbm>> -> memref<1000x1x128xf32, #tpu.memory_space<hbm>>
    tpu.enqueue_indirect_dma source(%dma_start3A_58 : memref<1000x1x128xf32, #tpu.memory_space<hbm>>) target(%dma_start3A_52 : memref<40x1x128xf32, #tpu.memory_space<vmem>>) offsets(%dma_start3A_54 : memref<40xi32, #tpu.memory_space<vmem>>) semaphore(%arg17 : memref<!tpu.dma_semaphore, #tpu.memory_space<semaphore_mem>>)
    %dma_start3A_59 = arith.constant 32 : i32
    %dma_start3A_60 = arith.constant 0 : i32
    %dma_start3A_61 = arith.constant 0 : i32
    %dma_start3A_62 = tpu.memref_slice %arg12[%dma_start3A_59, %dma_start3A_60, %dma_start3A_61] : memref<128x1x128xf32, #tpu.memory_space<vmem>> -> memref<40x1x128xf32, #tpu.memory_space<vmem>>
    %dma_start3A_63 = arith.constant 32 : i32
    %dma_start3A_64 = tpu.memref_slice %arg10[%dma_start3A_63] : memref<128xi32, #tpu.memory_space<vmem>> -> memref<40xi32, #tpu.memory_space<vmem>>
    %dma_start3A_65 = arith.constant 0 : i32
    %dma_start3A_66 = arith.constant 0 : i32
    %dma_start3A_67 = arith.constant 0 : i32
    %dma_start3A_68 = tpu.memref_slice %arg5[%dma_start3A_65, %dma_start3A_66, %dma_start3A_67] : memref<1000x1x128xf32, #tpu.memory_space<hbm>> -> memref<1000x1x128xf32, #tpu.memory_space<hbm>>
    tpu.enqueue_indirect_dma source(%dma_start3A_68 : memref<1000x1x128xf32, #tpu.memory_space<hbm>>) target(%dma_start3A_62 : memref<40x1x128xf32, #tpu.memory_space<vmem>>) offsets(%dma_start3A_64 : memref<40xi32, #tpu.memory_space<vmem>>) semaphore(%arg21 : memref<!tpu.dma_semaphore, #tpu.memory_space<semaphore_mem>>)
    %dma_start3A_69 = arith.constant 72 : i32
    %dma_start3A_70 = arith.constant 0 : i32
    %dma_start3A_71 = arith.constant 0 : i32
    %dma_start3A_72 = tpu.memref_slice %arg11[%dma_start3A_69, %dma_start3A_70, %dma_start3A_71] : memref<128x1x128xf32, #tpu.memory_space<vmem>> -> memref<56x1x128xf32, #tpu.memory_space<vmem>>
    %dma_start3A_73 = arith.constant 72 : i32
    %dma_start3A_74 = tpu.memref_slice %arg9[%dma_start3A_73] : memref<128xi32, #tpu.memory_space<vmem>> -> memref<56xi32, #tpu.memory_space<vmem>>
    %dma_start3A_75 = arith.constant 0 : i32
    %dma_start3A_76 = arith.constant 0 : i32
    %dma_start3A_77 = arith.constant 0 : i32
    %dma_start3A_78 = tpu.memref_slice %arg4[%dma_start3A_75, %dma_start3A_76, %dma_start3A_77] : memref<1000x1x128xf32, #tpu.memory_space<hbm>> -> memref<1000x1x128xf32, #tpu.memory_space<hbm>>
    tpu.enqueue_indirect_dma source(%dma_start3A_78 : memref<1000x1x128xf32, #tpu.memory_space<hbm>>) target(%dma_start3A_72 : memref<56x1x128xf32, #tpu.memory_space<vmem>>) offsets(%dma_start3A_74 : memref<56xi32, #tpu.memory_space<vmem>>) semaphore(%arg18 : memref<!tpu.dma_semaphore, #tpu.memory_space<semaphore_mem>>)
    %dma_start3A_79 = arith.constant 72 : i32
    %dma_start3A_80 = arith.constant 0 : i32
    %dma_start3A_81 = arith.constant 0 : i32
    %dma_start3A_82 = tpu.memref_slice %arg12[%dma_start3A_79, %dma_start3A_80, %dma_start3A_81] : memref<128x1x128xf32, #tpu.memory_space<vmem>> -> memref<56x1x128xf32, #tpu.memory_space<vmem>>
    %dma_start3A_83 = arith.constant 72 : i32
    %dma_start3A_84 = tpu.memref_slice %arg10[%dma_start3A_83] : memref<128xi32, #tpu.memory_space<vmem>> -> memref<56xi32, #tpu.memory_space<vmem>>
    %dma_start3A_85 = arith.constant 0 : i32
    %dma_start3A_86 = arith.constant 0 : i32
    %dma_start3A_87 = arith.constant 0 : i32
    %dma_start3A_88 = tpu.memref_slice %arg5[%dma_start3A_85, %dma_start3A_86, %dma_start3A_87] : memref<1000x1x128xf32, #tpu.memory_space<hbm>> -> memref<1000x1x128xf32, #tpu.memory_space<hbm>>
    tpu.enqueue_indirect_dma source(%dma_start3A_88 : memref<1000x1x128xf32, #tpu.memory_space<hbm>>) target(%dma_start3A_82 : memref<56x1x128xf32, #tpu.memory_space<vmem>>) offsets(%dma_start3A_84 : memref<56xi32, #tpu.memory_space<vmem>>) semaphore(%arg22 : memref<!tpu.dma_semaphore, #tpu.memory_space<semaphore_mem>>)
    tpu.wait_dma2 semaphore(%arg31 : memref<!tpu.dma_semaphore, #tpu.memory_space<semaphore_mem>>) src(%arg6 : memref<128xf32, #tpu.memory_space<hbm>>) dst(%arg13 : memref<128xf32, #tpu.memory_space<vmem>>)
    tpu.wait_dma2 semaphore(%arg31 : memref<!tpu.dma_semaphore, #tpu.memory_space<semaphore_mem>>) src(%arg7 : memref<128xf32, #tpu.memory_space<hbm>>) dst(%arg14 : memref<128xf32, #tpu.memory_space<vmem>>)
    %get3A = arith.constant 0 : index
    %get3A_89 = tpu.vector_load %arg13[%get3A] {strides = array<i32>} : memref<128xf32, #tpu.memory_space<vmem>>, vector<16xf32>,
    %get3A_90 = vector.shape_cast %get3A_89 : vector<16xf32> to vector<16xf32>
    %get3A_91 = arith.constant 16 : index
    %get3A_92 = tpu.vector_load %arg13[%get3A_91] {strides = array<i32>} : memref<128xf32, #tpu.memory_space<vmem>>, vector<16xf32>,
    %get3A_93 = vector.shape_cast %get3A_92 : vector<16xf32> to vector<16xf32>
    %get3A_94 = arith.constant 32 : index
    %get3A_95 = tpu.vector_load %arg13[%get3A_94] {strides = array<i32>} : memref<128xf32, #tpu.memory_space<vmem>>, vector<16xf32>,
    %get3A_96 = vector.shape_cast %get3A_95 : vector<16xf32> to vector<16xf32>
    %get3A_97 = arith.constant 48 : index
    %get3A_98 = tpu.vector_load %arg13[%get3A_97] {strides = array<i32>} : memref<128xf32, #tpu.memory_space<vmem>>, vector<16xf32>,
    %get3A_99 = vector.shape_cast %get3A_98 : vector<16xf32> to vector<16xf32>
    %get3A_100 = arith.constant 64 : index
    %get3A_101 = tpu.vector_load %arg13[%get3A_100] {strides = array<i32>} : memref<128xf32, #tpu.memory_space<vmem>>, vector<16xf32>,
    %get3A_102 = vector.shape_cast %get3A_101 : vector<16xf32> to vector<16xf32>
    %get3A_103 = arith.constant 80 : index
    %get3A_104 = tpu.vector_load %arg13[%get3A_103] {strides = array<i32>} : memref<128xf32, #tpu.memory_space<vmem>>, vector<16xf32>,
    %get3A_105 = vector.shape_cast %get3A_104 : vector<16xf32> to vector<16xf32>
    %get3A_106 = arith.constant 96 : index
    %get3A_107 = tpu.vector_load %arg13[%get3A_106] {strides = array<i32>} : memref<128xf32, #tpu.memory_space<vmem>>, vector<16xf32>,
    %get3A_108 = vector.shape_cast %get3A_107 : vector<16xf32> to vector<16xf32>
    %get3A_109 = arith.constant 112 : index
    %get3A_110 = tpu.vector_load %arg13[%get3A_109] {strides = array<i32>} : memref<128xf32, #tpu.memory_space<vmem>>, vector<16xf32>,
    %get3A_111 = vector.shape_cast %get3A_110 : vector<16xf32> to vector<16xf32>
    %get3A_112 = arith.constant 0 : index
    %get3A_113 = tpu.vector_load %arg14[%get3A_112] {strides = array<i32>} : memref<128xf32, #tpu.memory_space<vmem>>, vector<16xf32>,
    %get3A_114 = vector.shape_cast %get3A_113 : vector<16xf32> to vector<16xf32>
    %get3A_115 = arith.constant 16 : index
    %get3A_116 = tpu.vector_load %arg14[%get3A_115] {strides = array<i32>} : memref<128xf32, #tpu.memory_space<vmem>>, vector<16xf32>,
    %get3A_117 = vector.shape_cast %get3A_116 : vector<16xf32> to vector<16xf32>
    %get3A_118 = arith.constant 32 : index
    %get3A_119 = tpu.vector_load %arg14[%get3A_118] {strides = array<i32>} : memref<128xf32, #tpu.memory_space<vmem>>, vector<16xf32>,
    %get3A_120 = vector.shape_cast %get3A_119 : vector<16xf32> to vector<16xf32>
    %get3A_121 = arith.constant 48 : index
    %get3A_122 = tpu.vector_load %arg14[%get3A_121] {strides = array<i32>} : memref<128xf32, #tpu.memory_space<vmem>>, vector<16xf32>,
    %get3A_123 = vector.shape_cast %get3A_122 : vector<16xf32> to vector<16xf32>
    %get3A_124 = arith.constant 64 : index
    %get3A_125 = tpu.vector_load %arg14[%get3A_124] {strides = array<i32>} : memref<128xf32, #tpu.memory_space<vmem>>, vector<16xf32>,
    %get3A_126 = vector.shape_cast %get3A_125 : vector<16xf32> to vector<16xf32>
    %get3A_127 = arith.constant 80 : index
    %get3A_128 = tpu.vector_load %arg14[%get3A_127] {strides = array<i32>} : memref<128xf32, #tpu.memory_space<vmem>>, vector<16xf32>,
    %get3A_129 = vector.shape_cast %get3A_128 : vector<16xf32> to vector<16xf32>
    %get3A_130 = arith.constant 96 : index
    %get3A_131 = tpu.vector_load %arg14[%get3A_130] {strides = array<i32>} : memref<128xf32, #tpu.memory_space<vmem>>, vector<16xf32>,
    %get3A_132 = vector.shape_cast %get3A_131 : vector<16xf32> to vector<16xf32>
    %get3A_133 = arith.constant 112 : index
    %get3A_134 = tpu.vector_load %arg14[%get3A_133] {strides = array<i32>} : memref<128xf32, #tpu.memory_space<vmem>>, vector<16xf32>,
    %get3A_135 = vector.shape_cast %get3A_134 : vector<16xf32> to vector<16xf32>
    %add3A_136 = arith.constant 0 : i32
    %add3A_137 = arith.addi %mul3A_2, %add3A_136 : i32
    %dma_wait3A_138 = arith.constant 0 : i32
    %dma_wait3A_139 = arith.constant 0 : i32
    %dma_wait3A_140 = arith.constant 0 : i32
    %dma_wait3A_141 = tpu.memref_slice %arg11[%dma_wait3A_138, %dma_wait3A_139, %dma_wait3A_140] : memref<128x1x128xf32, #tpu.memory_space<vmem>> -> memref<8x1x128xf32, #tpu.memory_space<vmem>>
    %dma_wait3A_142 = arith.constant 0 : i32
    %dma_wait3A_143 = tpu.memref_slice %arg9[%dma_wait3A_142] : memref<128xi32, #tpu.memory_space<vmem>> -> memref<8xi32, #tpu.memory_space<vmem>>
    %dma_wait3A_144 = arith.constant 0 : i32
    %dma_wait3A_145 = arith.constant 0 : i32
    %dma_wait3A_146 = arith.constant 0 : i32
    %dma_wait3A_147 = tpu.memref_slice %arg4[%dma_wait3A_144, %dma_wait3A_145, %dma_wait3A_146] : memref<1000x1x128xf32, #tpu.memory_space<hbm>> -> memref<1000x1x128xf32, #tpu.memory_space<hbm>>
    tpu.wait_indirect_dma semaphore(%arg15 : memref<!tpu.dma_semaphore, #tpu.memory_space<semaphore_mem>>) src(%dma_wait3A_147 : memref<1000x1x128xf32, #tpu.memory_space<hbm>>) dst(%dma_wait3A_141 : memref<8x1x128xf32, #tpu.memory_space<vmem>>)
    %parallel_loop3A = arith.constant 0 : i32
    %parallel_loop3A_148 = arith.constant 8 : i32
    %parallel_loop3A_149 = arith.constant 1 : i32
    scf.for %parallel_loop3A_471 = %parallel_loop3A to %parallel_loop3A_148 step %parallel_loop3A_149  : i32 {
      %parallel_loop3A_472 = arith.constant 0 : i32
      %parallel_loop3A_473 = arith.index_cast %parallel_loop3A_471 : i32 to index
      %parallel_loop3A_474 = arith.index_cast %parallel_loop3A_472 : i32 to index
      %parallel_loop3A_475 = arith.constant 0 : index
      %parallel_loop3A_476 = tpu.vector_load %arg11[%parallel_loop3A_473, %parallel_loop3A_474, %parallel_loop3A_475] {strides = array<i32>} : memref<128x1x128xf32, #tpu.memory_space<vmem>>, vector<1x1x16xf32>,
      %parallel_loop3A_477 = vector.shape_cast %parallel_loop3A_476 : vector<1x1x16xf32> to vector<16xf32>
      %parallel_loop3A_478 = vector.shape_cast %get3A_90 : vector<16xf32> to vector<1x1x16xf32>
      tpu.vector_store %arg11[%parallel_loop3A_473, %parallel_loop3A_474, %parallel_loop3A_475], %parallel_loop3A_478 {add = true, strides = array<i32>} : memref<128x1x128xf32, #tpu.memory_space<vmem>>, vector<1x1x16xf32>,
      %parallel_loop3A_479 = arith.constant 0 : i32
      %parallel_loop3A_480 = arith.index_cast %parallel_loop3A_471 : i32 to index
      %parallel_loop3A_481 = arith.index_cast %parallel_loop3A_479 : i32 to index
      %parallel_loop3A_482 = arith.constant 16 : index
      %parallel_loop3A_483 = tpu.vector_load %arg11[%parallel_loop3A_480, %parallel_loop3A_481, %parallel_loop3A_482] {strides = array<i32>} : memref<128x1x128xf32, #tpu.memory_space<vmem>>, vector<1x1x16xf32>,
      %parallel_loop3A_484 = vector.shape_cast %parallel_loop3A_483 : vector<1x1x16xf32> to vector<16xf32>
      %parallel_loop3A_485 = vector.shape_cast %get3A_93 : vector<16xf32> to vector<1x1x16xf32>
      tpu.vector_store %arg11[%parallel_loop3A_480, %parallel_loop3A_481, %parallel_loop3A_482], %parallel_loop3A_485 {add = true, strides = array<i32>} : memref<128x1x128xf32, #tpu.memory_space<vmem>>, vector<1x1x16xf32>,
      %parallel_loop3A_486 = arith.constant 0 : i32
      %parallel_loop3A_487 = arith.index_cast %parallel_loop3A_471 : i32 to index
      %parallel_loop3A_488 = arith.index_cast %parallel_loop3A_486 : i32 to index
      %parallel_loop3A_489 = arith.constant 32 : index
      %parallel_loop3A_490 = tpu.vector_load %arg11[%parallel_loop3A_487, %parallel_loop3A_488, %parallel_loop3A_489] {strides = array<i32>} : memref<128x1x128xf32, #tpu.memory_space<vmem>>, vector<1x1x16xf32>,
      %parallel_loop3A_491 = vector.shape_cast %parallel_loop3A_490 : vector<1x1x16xf32> to vector<16xf32>
      %parallel_loop3A_492 = vector.shape_cast %get3A_96 : vector<16xf32> to vector<1x1x16xf32>
      tpu.vector_store %arg11[%parallel_loop3A_487, %parallel_loop3A_488, %parallel_loop3A_489], %parallel_loop3A_492 {add = true, strides = array<i32>} : memref<128x1x128xf32, #tpu.memory_space<vmem>>, vector<1x1x16xf32>,
      %parallel_loop3A_493 = arith.constant 0 : i32
      %parallel_loop3A_494 = arith.index_cast %parallel_loop3A_471 : i32 to index
      %parallel_loop3A_495 = arith.index_cast %parallel_loop3A_493 : i32 to index
      %parallel_loop3A_496 = arith.constant 48 : index
      %parallel_loop3A_497 = tpu.vector_load %arg11[%parallel_loop3A_494, %parallel_loop3A_495, %parallel_loop3A_496] {strides = array<i32>} : memref<128x1x128xf32, #tpu.memory_space<vmem>>, vector<1x1x16xf32>,
      %parallel_loop3A_498 = vector.shape_cast %parallel_loop3A_497 : vector<1x1x16xf32> to vector<16xf32>
      %parallel_loop3A_499 = vector.shape_cast %get3A_99 : vector<16xf32> to vector<1x1x16xf32>
      tpu.vector_store %arg11[%parallel_loop3A_494, %parallel_loop3A_495, %parallel_loop3A_496], %parallel_loop3A_499 {add = true, strides = array<i32>} : memref<128x1x128xf32, #tpu.memory_space<vmem>>, vector<1x1x16xf32>,
      %parallel_loop3A_500 = arith.constant 0 : i32
      %parallel_loop3A_501 = arith.index_cast %parallel_loop3A_471 : i32 to index
      %parallel_loop3A_502 = arith.index_cast %parallel_loop3A_500 : i32 to index
      %parallel_loop3A_503 = arith.constant 64 : index
      %parallel_loop3A_504 = tpu.vector_load %arg11[%parallel_loop3A_501, %parallel_loop3A_502, %parallel_loop3A_503] {strides = array<i32>} : memref<128x1x128xf32, #tpu.memory_space<vmem>>, vector<1x1x16xf32>,
      %parallel_loop3A_505 = vector.shape_cast %parallel_loop3A_504 : vector<1x1x16xf32> to vector<16xf32>
      %parallel_loop3A_506 = vector.shape_cast %get3A_102 : vector<16xf32> to vector<1x1x16xf32>
      tpu.vector_store %arg11[%parallel_loop3A_501, %parallel_loop3A_502, %parallel_loop3A_503], %parallel_loop3A_506 {add = true, strides = array<i32>} : memref<128x1x128xf32, #tpu.memory_space<vmem>>, vector<1x1x16xf32>,
      %parallel_loop3A_507 = arith.constant 0 : i32
      %parallel_loop3A_508 = arith.index_cast %parallel_loop3A_471 : i32 to index
      %parallel_loop3A_509 = arith.index_cast %parallel_loop3A_507 : i32 to index
      %parallel_loop3A_510 = arith.constant 80 : index
      %parallel_loop3A_511 = tpu.vector_load %arg11[%parallel_loop3A_508, %parallel_loop3A_509, %parallel_loop3A_510] {strides = array<i32>} : memref<128x1x128xf32, #tpu.memory_space<vmem>>, vector<1x1x16xf32>,
      %parallel_loop3A_512 = vector.shape_cast %parallel_loop3A_511 : vector<1x1x16xf32> to vector<16xf32>
      %parallel_loop3A_513 = vector.shape_cast %get3A_105 : vector<16xf32> to vector<1x1x16xf32>
      tpu.vector_store %arg11[%parallel_loop3A_508, %parallel_loop3A_509, %parallel_loop3A_510], %parallel_loop3A_513 {add = true, strides = array<i32>} : memref<128x1x128xf32, #tpu.memory_space<vmem>>, vector<1x1x16xf32>,
      %parallel_loop3A_514 = arith.constant 0 : i32
      %parallel_loop3A_515 = arith.index_cast %parallel_loop3A_471 : i32 to index
      %parallel_loop3A_516 = arith.index_cast %parallel_loop3A_514 : i32 to index
      %parallel_loop3A_517 = arith.constant 96 : index
      %parallel_loop3A_518 = tpu.vector_load %arg11[%parallel_loop3A_515, %parallel_loop3A_516, %parallel_loop3A_517] {strides = array<i32>} : memref<128x1x128xf32, #tpu.memory_space<vmem>>, vector<1x1x16xf32>,
      %parallel_loop3A_519 = vector.shape_cast %parallel_loop3A_518 : vector<1x1x16xf32> to vector<16xf32>
      %parallel_loop3A_520 = vector.shape_cast %get3A_108 : vector<16xf32> to vector<1x1x16xf32>
      tpu.vector_store %arg11[%parallel_loop3A_515, %parallel_loop3A_516, %parallel_loop3A_517], %parallel_loop3A_520 {add = true, strides = array<i32>} : memref<128x1x128xf32, #tpu.memory_space<vmem>>, vector<1x1x16xf32>,
      %parallel_loop3A_521 = arith.constant 0 : i32
      %parallel_loop3A_522 = arith.index_cast %parallel_loop3A_471 : i32 to index
      %parallel_loop3A_523 = arith.index_cast %parallel_loop3A_521 : i32 to index
      %parallel_loop3A_524 = arith.constant 112 : index
      %parallel_loop3A_525 = tpu.vector_load %arg11[%parallel_loop3A_522, %parallel_loop3A_523, %parallel_loop3A_524] {strides = array<i32>} : memref<128x1x128xf32, #tpu.memory_space<vmem>>, vector<1x1x16xf32>,
      %parallel_loop3A_526 = vector.shape_cast %parallel_loop3A_525 : vector<1x1x16xf32> to vector<16xf32>
      %parallel_loop3A_527 = vector.shape_cast %get3A_111 : vector<16xf32> to vector<1x1x16xf32>
      tpu.vector_store %arg11[%parallel_loop3A_522, %parallel_loop3A_523, %parallel_loop3A_524], %parallel_loop3A_527 {add = true, strides = array<i32>} : memref<128x1x128xf32, #tpu.memory_space<vmem>>, vector<1x1x16xf32>,
    } {sc.loop_unroll_factor = 1 : i64, sc.parallel_access}
    %dma_start3A_150 = arith.constant 0 : i32
    %dma_start3A_151 = arith.constant 0 : i32
    %dma_start3A_152 = arith.constant 0 : i32
    %dma_start3A_153 = tpu.memref_slice %arg11[%dma_start3A_150, %dma_start3A_151, %dma_start3A_152] : memref<128x1x128xf32, #tpu.memory_space<vmem>> -> memref<8x1x128xf32, #tpu.memory_space<vmem>>
    %dma_start3A_154 = arith.constant 0 : i32
    %dma_start3A_155 = arith.constant 0 : i32
    %dma_start3A_156 = tpu.memref_slice %arg8[%add3A_137, %dma_start3A_154, %dma_start3A_155] : memref<4096x2x128xf32, #tpu.memory_space<hbm>> -> memref<8x1x128xf32, #tpu.memory_space<hbm>>
    %dma_start3A_157 = arith.constant 0 : i32
    %dma_start3A_158 = arith.constant 0 : i32
    %dma_start3A_159 = tpu.memref_slice %arg8[%add3A_137, %dma_start3A_157, %dma_start3A_158] : memref<4096x2x128xf32, #tpu.memory_space<hbm>> -> memref<8x1x128xf32, #tpu.memory_space<hbm>>
    %dma_start3A_160 = arith.constant 0 : i32
    %dma_start3A_161 = arith.constant 0 : i32
    %dma_start3A_162 = arith.constant 0 : i32
    %dma_start3A_163 = tpu.memref_slice %arg11[%dma_start3A_160, %dma_start3A_161, %dma_start3A_162] : memref<128x1x128xf32, #tpu.memory_space<vmem>> -> memref<8x1x128xf32, #tpu.memory_space<vmem>>
    tpu.enqueue_dma source(%dma_start3A_163 : memref<8x1x128xf32, #tpu.memory_space<vmem>>) target(%dma_start3A_159 : memref<8x1x128xf32, #tpu.memory_space<hbm>>) target_semaphore(%arg23 : memref<!tpu.dma_semaphore, #tpu.memory_space<semaphore_mem>>)
    %dma_wait3A_164 = arith.constant 0 : i32
    %dma_wait3A_165 = arith.constant 0 : i32
    %dma_wait3A_166 = arith.constant 0 : i32
    %dma_wait3A_167 = tpu.memref_slice %arg12[%dma_wait3A_164, %dma_wait3A_165, %dma_wait3A_166] : memref<128x1x128xf32, #tpu.memory_space<vmem>> -> memref<8x1x128xf32, #tpu.memory_space<vmem>>
    %dma_wait3A_168 = arith.constant 0 : i32
    %dma_wait3A_169 = tpu.memref_slice %arg10[%dma_wait3A_168] : memref<128xi32, #tpu.memory_space<vmem>> -> memref<8xi32, #tpu.memory_space<vmem>>
    %dma_wait3A_170 = arith.constant 0 : i32
    %dma_wait3A_171 = arith.constant 0 : i32
    %dma_wait3A_172 = arith.constant 0 : i32
    %dma_wait3A_173 = tpu.memref_slice %arg5[%dma_wait3A_170, %dma_wait3A_171, %dma_wait3A_172] : memref<1000x1x128xf32, #tpu.memory_space<hbm>> -> memref<1000x1x128xf32, #tpu.memory_space<hbm>>
    tpu.wait_indirect_dma semaphore(%arg19 : memref<!tpu.dma_semaphore, #tpu.memory_space<semaphore_mem>>) src(%dma_wait3A_173 : memref<1000x1x128xf32, #tpu.memory_space<hbm>>) dst(%dma_wait3A_167 : memref<8x1x128xf32, #tpu.memory_space<vmem>>)
    %parallel_loop3A_174 = arith.constant 0 : i32
    %parallel_loop3A_175 = arith.constant 8 : i32
    %parallel_loop3A_176 = arith.constant 1 : i32
    scf.for %parallel_loop3A_471 = %parallel_loop3A_174 to %parallel_loop3A_175 step %parallel_loop3A_176  : i32 {
      %parallel_loop3A_472 = arith.constant 0 : i32
      %parallel_loop3A_473 = arith.index_cast %parallel_loop3A_471 : i32 to index
      %parallel_loop3A_474 = arith.index_cast %parallel_loop3A_472 : i32 to index
      %parallel_loop3A_475 = arith.constant 0 : index
      %parallel_loop3A_476 = tpu.vector_load %arg12[%parallel_loop3A_473, %parallel_loop3A_474, %parallel_loop3A_475] {strides = array<i32>} : memref<128x1x128xf32, #tpu.memory_space<vmem>>, vector<1x1x16xf32>,
      %parallel_loop3A_477 = vector.shape_cast %parallel_loop3A_476 : vector<1x1x16xf32> to vector<16xf32>
      %parallel_loop3A_478 = vector.shape_cast %get3A_114 : vector<16xf32> to vector<1x1x16xf32>
      tpu.vector_store %arg12[%parallel_loop3A_473, %parallel_loop3A_474, %parallel_loop3A_475], %parallel_loop3A_478 {add = true, strides = array<i32>} : memref<128x1x128xf32, #tpu.memory_space<vmem>>, vector<1x1x16xf32>,
      %parallel_loop3A_479 = arith.constant 0 : i32
      %parallel_loop3A_480 = arith.index_cast %parallel_loop3A_471 : i32 to index
      %parallel_loop3A_481 = arith.index_cast %parallel_loop3A_479 : i32 to index
      %parallel_loop3A_482 = arith.constant 16 : index
      %parallel_loop3A_483 = tpu.vector_load %arg12[%parallel_loop3A_480, %parallel_loop3A_481, %parallel_loop3A_482] {strides = array<i32>} : memref<128x1x128xf32, #tpu.memory_space<vmem>>, vector<1x1x16xf32>,
      %parallel_loop3A_484 = vector.shape_cast %parallel_loop3A_483 : vector<1x1x16xf32> to vector<16xf32>
      %parallel_loop3A_485 = vector.shape_cast %get3A_117 : vector<16xf32> to vector<1x1x16xf32>
      tpu.vector_store %arg12[%parallel_loop3A_480, %parallel_loop3A_481, %parallel_loop3A_482], %parallel_loop3A_485 {add = true, strides = array<i32>} : memref<128x1x128xf32, #tpu.memory_space<vmem>>, vector<1x1x16xf32>,
      %parallel_loop3A_486 = arith.constant 0 : i32
      %parallel_loop3A_487 = arith.index_cast %parallel_loop3A_471 : i32 to index
      %parallel_loop3A_488 = arith.index_cast %parallel_loop3A_486 : i32 to index
      %parallel_loop3A_489 = arith.constant 32 : index
      %parallel_loop3A_490 = tpu.vector_load %arg12[%parallel_loop3A_487, %parallel_loop3A_488, %parallel_loop3A_489] {strides = array<i32>} : memref<128x1x128xf32, #tpu.memory_space<vmem>>, vector<1x1x16xf32>,
      %parallel_loop3A_491 = vector.shape_cast %parallel_loop3A_490 : vector<1x1x16xf32> to vector<16xf32>
      %parallel_loop3A_492 = vector.shape_cast %get3A_120 : vector<16xf32> to vector<1x1x16xf32>
      tpu.vector_store %arg12[%parallel_loop3A_487, %parallel_loop3A_488, %parallel_loop3A_489], %parallel_loop3A_492 {add = true, strides = array<i32>} : memref<128x1x128xf32, #tpu.memory_space<vmem>>, vector<1x1x16xf32>,
      %parallel_loop3A_493 = arith.constant 0 : i32
      %parallel_loop3A_494 = arith.index_cast %parallel_loop3A_471 : i32 to index
      %parallel_loop3A_495 = arith.index_cast %parallel_loop3A_493 : i32 to index
      %parallel_loop3A_496 = arith.constant 48 : index
      %parallel_loop3A_497 = tpu.vector_load %arg12[%parallel_loop3A_494, %parallel_loop3A_495, %parallel_loop3A_496] {strides = array<i32>} : memref<128x1x128xf32, #tpu.memory_space<vmem>>, vector<1x1x16xf32>,
      %parallel_loop3A_498 = vector.shape_cast %parallel_loop3A_497 : vector<1x1x16xf32> to vector<16xf32>
      %parallel_loop3A_499 = vector.shape_cast %get3A_123 : vector<16xf32> to vector<1x1x16xf32>
      tpu.vector_store %arg12[%parallel_loop3A_494, %parallel_loop3A_495, %parallel_loop3A_496], %parallel_loop3A_499 {add = true, strides = array<i32>} : memref<128x1x128xf32, #tpu.memory_space<vmem>>, vector<1x1x16xf32>,
      %parallel_loop3A_500 = arith.constant 0 : i32
      %parallel_loop3A_501 = arith.index_cast %parallel_loop3A_471 : i32 to index
      %parallel_loop3A_502 = arith.index_cast %parallel_loop3A_500 : i32 to index
      %parallel_loop3A_503 = arith.constant 64 : index
      %parallel_loop3A_504 = tpu.vector_load %arg12[%parallel_loop3A_501, %parallel_loop3A_502, %parallel_loop3A_503] {strides = array<i32>} : memref<128x1x128xf32, #tpu.memory_space<vmem>>, vector<1x1x16xf32>,
      %parallel_loop3A_505 = vector.shape_cast %parallel_loop3A_504 : vector<1x1x16xf32> to vector<16xf32>
      %parallel_loop3A_506 = vector.shape_cast %get3A_126 : vector<16xf32> to vector<1x1x16xf32>
      tpu.vector_store %arg12[%parallel_loop3A_501, %parallel_loop3A_502, %parallel_loop3A_503], %parallel_loop3A_506 {add = true, strides = array<i32>} : memref<128x1x128xf32, #tpu.memory_space<vmem>>, vector<1x1x16xf32>,
      %parallel_loop3A_507 = arith.constant 0 : i32
      %parallel_loop3A_508 = arith.index_cast %parallel_loop3A_471 : i32 to index
      %parallel_loop3A_509 = arith.index_cast %parallel_loop3A_507 : i32 to index
      %parallel_loop3A_510 = arith.constant 80 : index
      %parallel_loop3A_511 = tpu.vector_load %arg12[%parallel_loop3A_508, %parallel_loop3A_509, %parallel_loop3A_510] {strides = array<i32>} : memref<128x1x128xf32, #tpu.memory_space<vmem>>, vector<1x1x16xf32>,
      %parallel_loop3A_512 = vector.shape_cast %parallel_loop3A_511 : vector<1x1x16xf32> to vector<16xf32>
      %parallel_loop3A_513 = vector.shape_cast %get3A_129 : vector<16xf32> to vector<1x1x16xf32>
      tpu.vector_store %arg12[%parallel_loop3A_508, %parallel_loop3A_509, %parallel_loop3A_510], %parallel_loop3A_513 {add = true, strides = array<i32>} : memref<128x1x128xf32, #tpu.memory_space<vmem>>, vector<1x1x16xf32>,
      %parallel_loop3A_514 = arith.constant 0 : i32
      %parallel_loop3A_515 = arith.index_cast %parallel_loop3A_471 : i32 to index
      %parallel_loop3A_516 = arith.index_cast %parallel_loop3A_514 : i32 to index
      %parallel_loop3A_517 = arith.constant 96 : index
      %parallel_loop3A_518 = tpu.vector_load %arg12[%parallel_loop3A_515, %parallel_loop3A_516, %parallel_loop3A_517] {strides = array<i32>} : memref<128x1x128xf32, #tpu.memory_space<vmem>>, vector<1x1x16xf32>,
      %parallel_loop3A_519 = vector.shape_cast %parallel_loop3A_518 : vector<1x1x16xf32> to vector<16xf32>
      %parallel_loop3A_520 = vector.shape_cast %get3A_132 : vector<16xf32> to vector<1x1x16xf32>
      tpu.vector_store %arg12[%parallel_loop3A_515, %parallel_loop3A_516, %parallel_loop3A_517], %parallel_loop3A_520 {add = true, strides = array<i32>} : memref<128x1x128xf32, #tpu.memory_space<vmem>>, vector<1x1x16xf32>,
      %parallel_loop3A_521 = arith.constant 0 : i32
      %parallel_loop3A_522 = arith.index_cast %parallel_loop3A_471 : i32 to index
      %parallel_loop3A_523 = arith.index_cast %parallel_loop3A_521 : i32 to index
      %parallel_loop3A_524 = arith.constant 112 : index
      %parallel_loop3A_525 = tpu.vector_load %arg12[%parallel_loop3A_522, %parallel_loop3A_523, %parallel_loop3A_524] {strides = array<i32>} : memref<128x1x128xf32, #tpu.memory_space<vmem>>, vector<1x1x16xf32>,
      %parallel_loop3A_526 = vector.shape_cast %parallel_loop3A_525 : vector<1x1x16xf32> to vector<16xf32>
      %parallel_loop3A_527 = vector.shape_cast %get3A_135 : vector<16xf32> to vector<1x1x16xf32>
      tpu.vector_store %arg12[%parallel_loop3A_522, %parallel_loop3A_523, %parallel_loop3A_524], %parallel_loop3A_527 {add = true, strides = array<i32>} : memref<128x1x128xf32, #tpu.memory_space<vmem>>, vector<1x1x16xf32>,
    } {sc.loop_unroll_factor = 1 : i64, sc.parallel_access}
    %dma_start3A_177 = arith.constant 0 : i32
    %dma_start3A_178 = arith.constant 0 : i32
    %dma_start3A_179 = arith.constant 0 : i32
    %dma_start3A_180 = tpu.memref_slice %arg12[%dma_start3A_177, %dma_start3A_178, %dma_start3A_179] : memref<128x1x128xf32, #tpu.memory_space<vmem>> -> memref<8x1x128xf32, #tpu.memory_space<vmem>>
    %dma_start3A_181 = arith.constant 1 : i32
    %dma_start3A_182 = arith.constant 0 : i32
    %dma_start3A_183 = tpu.memref_slice %arg8[%add3A_137, %dma_start3A_181, %dma_start3A_182] : memref<4096x2x128xf32, #tpu.memory_space<hbm>> -> memref<8x1x128xf32, #tpu.memory_space<hbm>>
    %dma_start3A_184 = arith.constant 1 : i32
    %dma_start3A_185 = arith.constant 0 : i32
    %dma_start3A_186 = tpu.memref_slice %arg8[%add3A_137, %dma_start3A_184, %dma_start3A_185] : memref<4096x2x128xf32, #tpu.memory_space<hbm>> -> memref<8x1x128xf32, #tpu.memory_space<hbm>>
    %dma_start3A_187 = arith.constant 0 : i32
    %dma_start3A_188 = arith.constant 0 : i32
    %dma_start3A_189 = arith.constant 0 : i32
    %dma_start3A_190 = tpu.memref_slice %arg12[%dma_start3A_187, %dma_start3A_188, %dma_start3A_189] : memref<128x1x128xf32, #tpu.memory_space<vmem>> -> memref<8x1x128xf32, #tpu.memory_space<vmem>>
    tpu.enqueue_dma source(%dma_start3A_190 : memref<8x1x128xf32, #tpu.memory_space<vmem>>) target(%dma_start3A_186 : memref<8x1x128xf32, #tpu.memory_space<hbm>>) target_semaphore(%arg27 : memref<!tpu.dma_semaphore, #tpu.memory_space<semaphore_mem>>)
    %add3A_191 = arith.constant 8 : i32
    %add3A_192 = arith.addi %mul3A_2, %add3A_191 : i32
    %dma_wait3A_193 = arith.constant 8 : i32
    %dma_wait3A_194 = arith.constant 0 : i32
    %dma_wait3A_195 = arith.constant 0 : i32
    %dma_wait3A_196 = tpu.memref_slice %arg11[%dma_wait3A_193, %dma_wait3A_194, %dma_wait3A_195] : memref<128x1x128xf32, #tpu.memory_space<vmem>> -> memref<24x1x128xf32, #tpu.memory_space<vmem>>
    %dma_wait3A_197 = arith.constant 8 : i32
    %dma_wait3A_198 = tpu.memref_slice %arg9[%dma_wait3A_197] : memref<128xi32, #tpu.memory_space<vmem>> -> memref<24xi32, #tpu.memory_space<vmem>>
    %dma_wait3A_199 = arith.constant 0 : i32
    %dma_wait3A_200 = arith.constant 0 : i32
    %dma_wait3A_201 = arith.constant 0 : i32
    %dma_wait3A_202 = tpu.memref_slice %arg4[%dma_wait3A_199, %dma_wait3A_200, %dma_wait3A_201] : memref<1000x1x128xf32, #tpu.memory_space<hbm>> -> memref<1000x1x128xf32, #tpu.memory_space<hbm>>
    tpu.wait_indirect_dma semaphore(%arg16 : memref<!tpu.dma_semaphore, #tpu.memory_space<semaphore_mem>>) src(%dma_wait3A_202 : memref<1000x1x128xf32, #tpu.memory_space<hbm>>) dst(%dma_wait3A_196 : memref<24x1x128xf32, #tpu.memory_space<vmem>>)
    %parallel_loop3A_203 = arith.constant 8 : i32
    %parallel_loop3A_204 = arith.constant 32 : i32
    %parallel_loop3A_205 = arith.constant 1 : i32
    scf.for %parallel_loop3A_471 = %parallel_loop3A_203 to %parallel_loop3A_204 step %parallel_loop3A_205  : i32 {
      %parallel_loop3A_472 = arith.constant 0 : i32
      %parallel_loop3A_473 = arith.index_cast %parallel_loop3A_471 : i32 to index
      %parallel_loop3A_474 = arith.index_cast %parallel_loop3A_472 : i32 to index
      %parallel_loop3A_475 = arith.constant 0 : index
      %parallel_loop3A_476 = tpu.vector_load %arg11[%parallel_loop3A_473, %parallel_loop3A_474, %parallel_loop3A_475] {strides = array<i32>} : memref<128x1x128xf32, #tpu.memory_space<vmem>>, vector<1x1x16xf32>,
      %parallel_loop3A_477 = vector.shape_cast %parallel_loop3A_476 : vector<1x1x16xf32> to vector<16xf32>
      %parallel_loop3A_478 = vector.shape_cast %get3A_90 : vector<16xf32> to vector<1x1x16xf32>
      tpu.vector_store %arg11[%parallel_loop3A_473, %parallel_loop3A_474, %parallel_loop3A_475], %parallel_loop3A_478 {add = true, strides = array<i32>} : memref<128x1x128xf32, #tpu.memory_space<vmem>>, vector<1x1x16xf32>,
      %parallel_loop3A_479 = arith.constant 0 : i32
      %parallel_loop3A_480 = arith.index_cast %parallel_loop3A_471 : i32 to index
      %parallel_loop3A_481 = arith.index_cast %parallel_loop3A_479 : i32 to index
      %parallel_loop3A_482 = arith.constant 16 : index
      %parallel_loop3A_483 = tpu.vector_load %arg11[%parallel_loop3A_480, %parallel_loop3A_481, %parallel_loop3A_482] {strides = array<i32>} : memref<128x1x128xf32, #tpu.memory_space<vmem>>, vector<1x1x16xf32>,
      %parallel_loop3A_484 = vector.shape_cast %parallel_loop3A_483 : vector<1x1x16xf32> to vector<16xf32>
      %parallel_loop3A_485 = vector.shape_cast %get3A_93 : vector<16xf32> to vector<1x1x16xf32>
      tpu.vector_store %arg11[%parallel_loop3A_480, %parallel_loop3A_481, %parallel_loop3A_482], %parallel_loop3A_485 {add = true, strides = array<i32>} : memref<128x1x128xf32, #tpu.memory_space<vmem>>, vector<1x1x16xf32>,
      %parallel_loop3A_486 = arith.constant 0 : i32
      %parallel_loop3A_487 = arith.index_cast %parallel_loop3A_471 : i32 to index
      %parallel_loop3A_488 = arith.index_cast %parallel_loop3A_486 : i32 to index
      %parallel_loop3A_489 = arith.constant 32 : index
      %parallel_loop3A_490 = tpu.vector_load %arg11[%parallel_loop3A_487, %parallel_loop3A_488, %parallel_loop3A_489] {strides = array<i32>} : memref<128x1x128xf32, #tpu.memory_space<vmem>>, vector<1x1x16xf32>,
      %parallel_loop3A_491 = vector.shape_cast %parallel_loop3A_490 : vector<1x1x16xf32> to vector<16xf32>
      %parallel_loop3A_492 = vector.shape_cast %get3A_96 : vector<16xf32> to vector<1x1x16xf32>
      tpu.vector_store %arg11[%parallel_loop3A_487, %parallel_loop3A_488, %parallel_loop3A_489], %parallel_loop3A_492 {add = true, strides = array<i32>} : memref<128x1x128xf32, #tpu.memory_space<vmem>>, vector<1x1x16xf32>,
      %parallel_loop3A_493 = arith.constant 0 : i32
      %parallel_loop3A_494 = arith.index_cast %parallel_loop3A_471 : i32 to index
      %parallel_loop3A_495 = arith.index_cast %parallel_loop3A_493 : i32 to index
      %parallel_loop3A_496 = arith.constant 48 : index
      %parallel_loop3A_497 = tpu.vector_load %arg11[%parallel_loop3A_494, %parallel_loop3A_495, %parallel_loop3A_496] {strides = array<i32>} : memref<128x1x128xf32, #tpu.memory_space<vmem>>, vector<1x1x16xf32>,
      %parallel_loop3A_498 = vector.shape_cast %parallel_loop3A_497 : vector<1x1x16xf32> to vector<16xf32>
      %parallel_loop3A_499 = vector.shape_cast %get3A_99 : vector<16xf32> to vector<1x1x16xf32>
      tpu.vector_store %arg11[%parallel_loop3A_494, %parallel_loop3A_495, %parallel_loop3A_496], %parallel_loop3A_499 {add = true, strides = array<i32>} : memref<128x1x128xf32, #tpu.memory_space<vmem>>, vector<1x1x16xf32>,
      %parallel_loop3A_500 = arith.constant 0 : i32
      %parallel_loop3A_501 = arith.index_cast %parallel_loop3A_471 : i32 to index
      %parallel_loop3A_502 = arith.index_cast %parallel_loop3A_500 : i32 to index
      %parallel_loop3A_503 = arith.constant 64 : index
      %parallel_loop3A_504 = tpu.vector_load %arg11[%parallel_loop3A_501, %parallel_loop3A_502, %parallel_loop3A_503] {strides = array<i32>} : memref<128x1x128xf32, #tpu.memory_space<vmem>>, vector<1x1x16xf32>,
      %parallel_loop3A_505 = vector.shape_cast %parallel_loop3A_504 : vector<1x1x16xf32> to vector<16xf32>
      %parallel_loop3A_506 = vector.shape_cast %get3A_102 : vector<16xf32> to vector<1x1x16xf32>
      tpu.vector_store %arg11[%parallel_loop3A_501, %parallel_loop3A_502, %parallel_loop3A_503], %parallel_loop3A_506 {add = true, strides = array<i32>} : memref<128x1x128xf32, #tpu.memory_space<vmem>>, vector<1x1x16xf32>,
      %parallel_loop3A_507 = arith.constant 0 : i32
      %parallel_loop3A_508 = arith.index_cast %parallel_loop3A_471 : i32 to index
      %parallel_loop3A_509 = arith.index_cast %parallel_loop3A_507 : i32 to index
      %parallel_loop3A_510 = arith.constant 80 : index
      %parallel_loop3A_511 = tpu.vector_load %arg11[%parallel_loop3A_508, %parallel_loop3A_509, %parallel_loop3A_510] {strides = array<i32>} : memref<128x1x128xf32, #tpu.memory_space<vmem>>, vector<1x1x16xf32>,
      %parallel_loop3A_512 = vector.shape_cast %parallel_loop3A_511 : vector<1x1x16xf32> to vector<16xf32>
      %parallel_loop3A_513 = vector.shape_cast %get3A_105 : vector<16xf32> to vector<1x1x16xf32>
      tpu.vector_store %arg11[%parallel_loop3A_508, %parallel_loop3A_509, %parallel_loop3A_510], %parallel_loop3A_513 {add = true, strides = array<i32>} : memref<128x1x128xf32, #tpu.memory_space<vmem>>, vector<1x1x16xf32>,
      %parallel_loop3A_514 = arith.constant 0 : i32
      %parallel_loop3A_515 = arith.index_cast %parallel_loop3A_471 : i32 to index
      %parallel_loop3A_516 = arith.index_cast %parallel_loop3A_514 : i32 to index
      %parallel_loop3A_517 = arith.constant 96 : index
      %parallel_loop3A_518 = tpu.vector_load %arg11[%parallel_loop3A_515, %parallel_loop3A_516, %parallel_loop3A_517] {strides = array<i32>} : memref<128x1x128xf32, #tpu.memory_space<vmem>>, vector<1x1x16xf32>,
      %parallel_loop3A_519 = vector.shape_cast %parallel_loop3A_518 : vector<1x1x16xf32> to vector<16xf32>
      %parallel_loop3A_520 = vector.shape_cast %get3A_108 : vector<16xf32> to vector<1x1x16xf32>
      tpu.vector_store %arg11[%parallel_loop3A_515, %parallel_loop3A_516, %parallel_loop3A_517], %parallel_loop3A_520 {add = true, strides = array<i32>} : memref<128x1x128xf32, #tpu.memory_space<vmem>>, vector<1x1x16xf32>,
      %parallel_loop3A_521 = arith.constant 0 : i32
      %parallel_loop3A_522 = arith.index_cast %parallel_loop3A_471 : i32 to index
      %parallel_loop3A_523 = arith.index_cast %parallel_loop3A_521 : i32 to index
      %parallel_loop3A_524 = arith.constant 112 : index
      %parallel_loop3A_525 = tpu.vector_load %arg11[%parallel_loop3A_522, %parallel_loop3A_523, %parallel_loop3A_524] {strides = array<i32>} : memref<128x1x128xf32, #tpu.memory_space<vmem>>, vector<1x1x16xf32>,
      %parallel_loop3A_526 = vector.shape_cast %parallel_loop3A_525 : vector<1x1x16xf32> to vector<16xf32>
      %parallel_loop3A_527 = vector.shape_cast %get3A_111 : vector<16xf32> to vector<1x1x16xf32>
      tpu.vector_store %arg11[%parallel_loop3A_522, %parallel_loop3A_523, %parallel_loop3A_524], %parallel_loop3A_527 {add = true, strides = array<i32>} : memref<128x1x128xf32, #tpu.memory_space<vmem>>, vector<1x1x16xf32>,
    } {sc.loop_unroll_factor = 1 : i64, sc.parallel_access}
    %dma_start3A_206 = arith.constant 8 : i32
    %dma_start3A_207 = arith.constant 0 : i32
    %dma_start3A_208 = arith.constant 0 : i32
    %dma_start3A_209 = tpu.memref_slice %arg11[%dma_start3A_206, %dma_start3A_207, %dma_start3A_208] : memref<128x1x128xf32, #tpu.memory_space<vmem>> -> memref<24x1x128xf32, #tpu.memory_space<vmem>>
    %dma_start3A_210 = arith.constant 0 : i32
    %dma_start3A_211 = arith.constant 0 : i32
    %dma_start3A_212 = tpu.memref_slice %arg8[%add3A_192, %dma_start3A_210, %dma_start3A_211] : memref<4096x2x128xf32, #tpu.memory_space<hbm>> -> memref<24x1x128xf32, #tpu.memory_space<hbm>>
    %dma_start3A_213 = arith.constant 0 : i32
    %dma_start3A_214 = arith.constant 0 : i32
    %dma_start3A_215 = tpu.memref_slice %arg8[%add3A_192, %dma_start3A_213, %dma_start3A_214] : memref<4096x2x128xf32, #tpu.memory_space<hbm>> -> memref<24x1x128xf32, #tpu.memory_space<hbm>>
    %dma_start3A_216 = arith.constant 8 : i32
    %dma_start3A_217 = arith.constant 0 : i32
    %dma_start3A_218 = arith.constant 0 : i32
    %dma_start3A_219 = tpu.memref_slice %arg11[%dma_start3A_216, %dma_start3A_217, %dma_start3A_218] : memref<128x1x128xf32, #tpu.memory_space<vmem>> -> memref<24x1x128xf32, #tpu.memory_space<vmem>>
    tpu.enqueue_dma source(%dma_start3A_219 : memref<24x1x128xf32, #tpu.memory_space<vmem>>) target(%dma_start3A_215 : memref<24x1x128xf32, #tpu.memory_space<hbm>>) target_semaphore(%arg24 : memref<!tpu.dma_semaphore, #tpu.memory_space<semaphore_mem>>)
    %dma_wait3A_220 = arith.constant 8 : i32
    %dma_wait3A_221 = arith.constant 0 : i32
    %dma_wait3A_222 = arith.constant 0 : i32
    %dma_wait3A_223 = tpu.memref_slice %arg12[%dma_wait3A_220, %dma_wait3A_221, %dma_wait3A_222] : memref<128x1x128xf32, #tpu.memory_space<vmem>> -> memref<24x1x128xf32, #tpu.memory_space<vmem>>
    %dma_wait3A_224 = arith.constant 8 : i32
    %dma_wait3A_225 = tpu.memref_slice %arg10[%dma_wait3A_224] : memref<128xi32, #tpu.memory_space<vmem>> -> memref<24xi32, #tpu.memory_space<vmem>>
    %dma_wait3A_226 = arith.constant 0 : i32
    %dma_wait3A_227 = arith.constant 0 : i32
    %dma_wait3A_228 = arith.constant 0 : i32
    %dma_wait3A_229 = tpu.memref_slice %arg5[%dma_wait3A_226, %dma_wait3A_227, %dma_wait3A_228] : memref<1000x1x128xf32, #tpu.memory_space<hbm>> -> memref<1000x1x128xf32, #tpu.memory_space<hbm>>
    tpu.wait_indirect_dma semaphore(%arg20 : memref<!tpu.dma_semaphore, #tpu.memory_space<semaphore_mem>>) src(%dma_wait3A_229 : memref<1000x1x128xf32, #tpu.memory_space<hbm>>) dst(%dma_wait3A_223 : memref<24x1x128xf32, #tpu.memory_space<vmem>>)
    %parallel_loop3A_230 = arith.constant 8 : i32
    %parallel_loop3A_231 = arith.constant 32 : i32
    %parallel_loop3A_232 = arith.constant 1 : i32
    scf.for %parallel_loop3A_471 = %parallel_loop3A_230 to %parallel_loop3A_231 step %parallel_loop3A_232  : i32 {
      %parallel_loop3A_472 = arith.constant 0 : i32
      %parallel_loop3A_473 = arith.index_cast %parallel_loop3A_471 : i32 to index
      %parallel_loop3A_474 = arith.index_cast %parallel_loop3A_472 : i32 to index
      %parallel_loop3A_475 = arith.constant 0 : index
      %parallel_loop3A_476 = tpu.vector_load %arg12[%parallel_loop3A_473, %parallel_loop3A_474, %parallel_loop3A_475] {strides = array<i32>} : memref<128x1x128xf32, #tpu.memory_space<vmem>>, vector<1x1x16xf32>,
      %parallel_loop3A_477 = vector.shape_cast %parallel_loop3A_476 : vector<1x1x16xf32> to vector<16xf32>
      %parallel_loop3A_478 = vector.shape_cast %get3A_114 : vector<16xf32> to vector<1x1x16xf32>
      tpu.vector_store %arg12[%parallel_loop3A_473, %parallel_loop3A_474, %parallel_loop3A_475], %parallel_loop3A_478 {add = true, strides = array<i32>} : memref<128x1x128xf32, #tpu.memory_space<vmem>>, vector<1x1x16xf32>,
      %parallel_loop3A_479 = arith.constant 0 : i32
      %parallel_loop3A_480 = arith.index_cast %parallel_loop3A_471 : i32 to index
      %parallel_loop3A_481 = arith.index_cast %parallel_loop3A_479 : i32 to index
      %parallel_loop3A_482 = arith.constant 16 : index
      %parallel_loop3A_483 = tpu.vector_load %arg12[%parallel_loop3A_480, %parallel_loop3A_481, %parallel_loop3A_482] {strides = array<i32>} : memref<128x1x128xf32, #tpu.memory_space<vmem>>, vector<1x1x16xf32>,
      %parallel_loop3A_484 = vector.shape_cast %parallel_loop3A_483 : vector<1x1x16xf32> to vector<16xf32>
      %parallel_loop3A_485 = vector.shape_cast %get3A_117 : vector<16xf32> to vector<1x1x16xf32>
      tpu.vector_store %arg12[%parallel_loop3A_480, %parallel_loop3A_481, %parallel_loop3A_482], %parallel_loop3A_485 {add = true, strides = array<i32>} : memref<128x1x128xf32, #tpu.memory_space<vmem>>, vector<1x1x16xf32>,
      %parallel_loop3A_486 = arith.constant 0 : i32
      %parallel_loop3A_487 = arith.index_cast %parallel_loop3A_471 : i32 to index
      %parallel_loop3A_488 = arith.index_cast %parallel_loop3A_486 : i32 to index
      %parallel_loop3A_489 = arith.constant 32 : index
      %parallel_loop3A_490 = tpu.vector_load %arg12[%parallel_loop3A_487, %parallel_loop3A_488, %parallel_loop3A_489] {strides = array<i32>} : memref<128x1x128xf32, #tpu.memory_space<vmem>>, vector<1x1x16xf32>,
      %parallel_loop3A_491 = vector.shape_cast %parallel_loop3A_490 : vector<1x1x16xf32> to vector<16xf32>
      %parallel_loop3A_492 = vector.shape_cast %get3A_120 : vector<16xf32> to vector<1x1x16xf32>
      tpu.vector_store %arg12[%parallel_loop3A_487, %parallel_loop3A_488, %parallel_loop3A_489], %parallel_loop3A_492 {add = true, strides = array<i32>} : memref<128x1x128xf32, #tpu.memory_space<vmem>>, vector<1x1x16xf32>,
      %parallel_loop3A_493 = arith.constant 0 : i32
      %parallel_loop3A_494 = arith.index_cast %parallel_loop3A_471 : i32 to index
      %parallel_loop3A_495 = arith.index_cast %parallel_loop3A_493 : i32 to index
      %parallel_loop3A_496 = arith.constant 48 : index
      %parallel_loop3A_497 = tpu.vector_load %arg12[%parallel_loop3A_494, %parallel_loop3A_495, %parallel_loop3A_496] {strides = array<i32>} : memref<128x1x128xf32, #tpu.memory_space<vmem>>, vector<1x1x16xf32>,
      %parallel_loop3A_498 = vector.shape_cast %parallel_loop3A_497 : vector<1x1x16xf32> to vector<16xf32>
      %parallel_loop3A_499 = vector.shape_cast %get3A_123 : vector<16xf32> to vector<1x1x16xf32>
      tpu.vector_store %arg12[%parallel_loop3A_494, %parallel_loop3A_495, %parallel_loop3A_496], %parallel_loop3A_499 {add = true, strides = array<i32>} : memref<128x1x128xf32, #tpu.memory_space<vmem>>, vector<1x1x16xf32>,
      %parallel_loop3A_500 = arith.constant 0 : i32
      %parallel_loop3A_501 = arith.index_cast %parallel_loop3A_471 : i32 to index
      %parallel_loop3A_502 = arith.index_cast %parallel_loop3A_500 : i32 to index
      %parallel_loop3A_503 = arith.constant 64 : index
      %parallel_loop3A_504 = tpu.vector_load %arg12[%parallel_loop3A_501, %parallel_loop3A_502, %parallel_loop3A_503] {strides = array<i32>} : memref<128x1x128xf32, #tpu.memory_space<vmem>>, vector<1x1x16xf32>,
      %parallel_loop3A_505 = vector.shape_cast %parallel_loop3A_504 : vector<1x1x16xf32> to vector<16xf32>
      %parallel_loop3A_506 = vector.shape_cast %get3A_126 : vector<16xf32> to vector<1x1x16xf32>
      tpu.vector_store %arg12[%parallel_loop3A_501, %parallel_loop3A_502, %parallel_loop3A_503], %parallel_loop3A_506 {add = true, strides = array<i32>} : memref<128x1x128xf32, #tpu.memory_space<vmem>>, vector<1x1x16xf32>,
      %parallel_loop3A_507 = arith.constant 0 : i32
      %parallel_loop3A_508 = arith.index_cast %parallel_loop3A_471 : i32 to index
      %parallel_loop3A_509 = arith.index_cast %parallel_loop3A_507 : i32 to index
      %parallel_loop3A_510 = arith.constant 80 : index
      %parallel_loop3A_511 = tpu.vector_load %arg12[%parallel_loop3A_508, %parallel_loop3A_509, %parallel_loop3A_510] {strides = array<i32>} : memref<128x1x128xf32, #tpu.memory_space<vmem>>, vector<1x1x16xf32>,
      %parallel_loop3A_512 = vector.shape_cast %parallel_loop3A_511 : vector<1x1x16xf32> to vector<16xf32>
      %parallel_loop3A_513 = vector.shape_cast %get3A_129 : vector<16xf32> to vector<1x1x16xf32>
      tpu.vector_store %arg12[%parallel_loop3A_508, %parallel_loop3A_509, %parallel_loop3A_510], %parallel_loop3A_513 {add = true, strides = array<i32>} : memref<128x1x128xf32, #tpu.memory_space<vmem>>, vector<1x1x16xf32>,
      %parallel_loop3A_514 = arith.constant 0 : i32
      %parallel_loop3A_515 = arith.index_cast %parallel_loop3A_471 : i32 to index
      %parallel_loop3A_516 = arith.index_cast %parallel_loop3A_514 : i32 to index
      %parallel_loop3A_517 = arith.constant 96 : index
      %parallel_loop3A_518 = tpu.vector_load %arg12[%parallel_loop3A_515, %parallel_loop3A_516, %parallel_loop3A_517] {strides = array<i32>} : memref<128x1x128xf32, #tpu.memory_space<vmem>>, vector<1x1x16xf32>,
      %parallel_loop3A_519 = vector.shape_cast %parallel_loop3A_518 : vector<1x1x16xf32> to vector<16xf32>
      %parallel_loop3A_520 = vector.shape_cast %get3A_132 : vector<16xf32> to vector<1x1x16xf32>
      tpu.vector_store %arg12[%parallel_loop3A_515, %parallel_loop3A_516, %parallel_loop3A_517], %parallel_loop3A_520 {add = true, strides = array<i32>} : memref<128x1x128xf32, #tpu.memory_space<vmem>>, vector<1x1x16xf32>,
      %parallel_loop3A_521 = arith.constant 0 : i32
      %parallel_loop3A_522 = arith.index_cast %parallel_loop3A_471 : i32 to index
      %parallel_loop3A_523 = arith.index_cast %parallel_loop3A_521 : i32 to index
      %parallel_loop3A_524 = arith.constant 112 : index
      %parallel_loop3A_525 = tpu.vector_load %arg12[%parallel_loop3A_522, %parallel_loop3A_523, %parallel_loop3A_524] {strides = array<i32>} : memref<128x1x128xf32, #tpu.memory_space<vmem>>, vector<1x1x16xf32>,
      %parallel_loop3A_526 = vector.shape_cast %parallel_loop3A_525 : vector<1x1x16xf32> to vector<16xf32>
      %parallel_loop3A_527 = vector.shape_cast %get3A_135 : vector<16xf32> to vector<1x1x16xf32>
      tpu.vector_store %arg12[%parallel_loop3A_522, %parallel_loop3A_523, %parallel_loop3A_524], %parallel_loop3A_527 {add = true, strides = array<i32>} : memref<128x1x128xf32, #tpu.memory_space<vmem>>, vector<1x1x16xf32>,
    } {sc.loop_unroll_factor = 1 : i64, sc.parallel_access}
    %dma_start3A_233 = arith.constant 8 : i32
    %dma_start3A_234 = arith.constant 0 : i32
    %dma_start3A_235 = arith.constant 0 : i32
    %dma_start3A_236 = tpu.memref_slice %arg12[%dma_start3A_233, %dma_start3A_234, %dma_start3A_235] : memref<128x1x128xf32, #tpu.memory_space<vmem>> -> memref<24x1x128xf32, #tpu.memory_space<vmem>>
    %dma_start3A_237 = arith.constant 1 : i32
    %dma_start3A_238 = arith.constant 0 : i32
    %dma_start3A_239 = tpu.memref_slice %arg8[%add3A_192, %dma_start3A_237, %dma_start3A_238] : memref<4096x2x128xf32, #tpu.memory_space<hbm>> -> memref<24x1x128xf32, #tpu.memory_space<hbm>>
    %dma_start3A_240 = arith.constant 1 : i32
    %dma_start3A_241 = arith.constant 0 : i32
    %dma_start3A_242 = tpu.memref_slice %arg8[%add3A_192, %dma_start3A_240, %dma_start3A_241] : memref<4096x2x128xf32, #tpu.memory_space<hbm>> -> memref<24x1x128xf32, #tpu.memory_space<hbm>>
    %dma_start3A_243 = arith.constant 8 : i32
    %dma_start3A_244 = arith.constant 0 : i32
    %dma_start3A_245 = arith.constant 0 : i32
    %dma_start3A_246 = tpu.memref_slice %arg12[%dma_start3A_243, %dma_start3A_244, %dma_start3A_245] : memref<128x1x128xf32, #tpu.memory_space<vmem>> -> memref<24x1x128xf32, #tpu.memory_space<vmem>>
    tpu.enqueue_dma source(%dma_start3A_246 : memref<24x1x128xf32, #tpu.memory_space<vmem>>) target(%dma_start3A_242 : memref<24x1x128xf32, #tpu.memory_space<hbm>>) target_semaphore(%arg28 : memref<!tpu.dma_semaphore, #tpu.memory_space<semaphore_mem>>)
    %add3A_247 = arith.constant 32 : i32
    %add3A_248 = arith.addi %mul3A_2, %add3A_247 : i32
    %dma_wait3A_249 = arith.constant 32 : i32
    %dma_wait3A_250 = arith.constant 0 : i32
    %dma_wait3A_251 = arith.constant 0 : i32
    %dma_wait3A_252 = tpu.memref_slice %arg11[%dma_wait3A_249, %dma_wait3A_250, %dma_wait3A_251] : memref<128x1x128xf32, #tpu.memory_space<vmem>> -> memref<40x1x128xf32, #tpu.memory_space<vmem>>
    %dma_wait3A_253 = arith.constant 32 : i32
    %dma_wait3A_254 = tpu.memref_slice %arg9[%dma_wait3A_253] : memref<128xi32, #tpu.memory_space<vmem>> -> memref<40xi32, #tpu.memory_space<vmem>>
    %dma_wait3A_255 = arith.constant 0 : i32
    %dma_wait3A_256 = arith.constant 0 : i32
    %dma_wait3A_257 = arith.constant 0 : i32
    %dma_wait3A_258 = tpu.memref_slice %arg4[%dma_wait3A_255, %dma_wait3A_256, %dma_wait3A_257] : memref<1000x1x128xf32, #tpu.memory_space<hbm>> -> memref<1000x1x128xf32, #tpu.memory_space<hbm>>
    tpu.wait_indirect_dma semaphore(%arg17 : memref<!tpu.dma_semaphore, #tpu.memory_space<semaphore_mem>>) src(%dma_wait3A_258 : memref<1000x1x128xf32, #tpu.memory_space<hbm>>) dst(%dma_wait3A_252 : memref<40x1x128xf32, #tpu.memory_space<vmem>>)
    %parallel_loop3A_259 = arith.constant 32 : i32
    %parallel_loop3A_260 = arith.constant 72 : i32
    %parallel_loop3A_261 = arith.constant 1 : i32
    scf.for %parallel_loop3A_471 = %parallel_loop3A_259 to %parallel_loop3A_260 step %parallel_loop3A_261  : i32 {
      %parallel_loop3A_472 = arith.constant 0 : i32
      %parallel_loop3A_473 = arith.index_cast %parallel_loop3A_471 : i32 to index
      %parallel_loop3A_474 = arith.index_cast %parallel_loop3A_472 : i32 to index
      %parallel_loop3A_475 = arith.constant 0 : index
      %parallel_loop3A_476 = tpu.vector_load %arg11[%parallel_loop3A_473, %parallel_loop3A_474, %parallel_loop3A_475] {strides = array<i32>} : memref<128x1x128xf32, #tpu.memory_space<vmem>>, vector<1x1x16xf32>,
      %parallel_loop3A_477 = vector.shape_cast %parallel_loop3A_476 : vector<1x1x16xf32> to vector<16xf32>
      %parallel_loop3A_478 = vector.shape_cast %get3A_90 : vector<16xf32> to vector<1x1x16xf32>
      tpu.vector_store %arg11[%parallel_loop3A_473, %parallel_loop3A_474, %parallel_loop3A_475], %parallel_loop3A_478 {add = true, strides = array<i32>} : memref<128x1x128xf32, #tpu.memory_space<vmem>>, vector<1x1x16xf32>,
      %parallel_loop3A_479 = arith.constant 0 : i32
      %parallel_loop3A_480 = arith.index_cast %parallel_loop3A_471 : i32 to index
      %parallel_loop3A_481 = arith.index_cast %parallel_loop3A_479 : i32 to index
      %parallel_loop3A_482 = arith.constant 16 : index
      %parallel_loop3A_483 = tpu.vector_load %arg11[%parallel_loop3A_480, %parallel_loop3A_481, %parallel_loop3A_482] {strides = array<i32>} : memref<128x1x128xf32, #tpu.memory_space<vmem>>, vector<1x1x16xf32>,
      %parallel_loop3A_484 = vector.shape_cast %parallel_loop3A_483 : vector<1x1x16xf32> to vector<16xf32>
      %parallel_loop3A_485 = vector.shape_cast %get3A_93 : vector<16xf32> to vector<1x1x16xf32>
      tpu.vector_store %arg11[%parallel_loop3A_480, %parallel_loop3A_481, %parallel_loop3A_482], %parallel_loop3A_485 {add = true, strides = array<i32>} : memref<128x1x128xf32, #tpu.memory_space<vmem>>, vector<1x1x16xf32>,
      %parallel_loop3A_486 = arith.constant 0 : i32
      %parallel_loop3A_487 = arith.index_cast %parallel_loop3A_471 : i32 to index
      %parallel_loop3A_488 = arith.index_cast %parallel_loop3A_486 : i32 to index
      %parallel_loop3A_489 = arith.constant 32 : index
      %parallel_loop3A_490 = tpu.vector_load %arg11[%parallel_loop3A_487, %parallel_loop3A_488, %parallel_loop3A_489] {strides = array<i32>} : memref<128x1x128xf32, #tpu.memory_space<vmem>>, vector<1x1x16xf32>,
      %parallel_loop3A_491 = vector.shape_cast %parallel_loop3A_490 : vector<1x1x16xf32> to vector<16xf32>
      %parallel_loop3A_492 = vector.shape_cast %get3A_96 : vector<16xf32> to vector<1x1x16xf32>
      tpu.vector_store %arg11[%parallel_loop3A_487, %parallel_loop3A_488, %parallel_loop3A_489], %parallel_loop3A_492 {add = true, strides = array<i32>} : memref<128x1x128xf32, #tpu.memory_space<vmem>>, vector<1x1x16xf32>,
      %parallel_loop3A_493 = arith.constant 0 : i32
      %parallel_loop3A_494 = arith.index_cast %parallel_loop3A_471 : i32 to index
      %parallel_loop3A_495 = arith.index_cast %parallel_loop3A_493 : i32 to index
      %parallel_loop3A_496 = arith.constant 48 : index
      %parallel_loop3A_497 = tpu.vector_load %arg11[%parallel_loop3A_494, %parallel_loop3A_495, %parallel_loop3A_496] {strides = array<i32>} : memref<128x1x128xf32, #tpu.memory_space<vmem>>, vector<1x1x16xf32>,
      %parallel_loop3A_498 = vector.shape_cast %parallel_loop3A_497 : vector<1x1x16xf32> to vector<16xf32>
      %parallel_loop3A_499 = vector.shape_cast %get3A_99 : vector<16xf32> to vector<1x1x16xf32>
      tpu.vector_store %arg11[%parallel_loop3A_494, %parallel_loop3A_495, %parallel_loop3A_496], %parallel_loop3A_499 {add = true, strides = array<i32>} : memref<128x1x128xf32, #tpu.memory_space<vmem>>, vector<1x1x16xf32>,
      %parallel_loop3A_500 = arith.constant 0 : i32
      %parallel_loop3A_501 = arith.index_cast %parallel_loop3A_471 : i32 to index
      %parallel_loop3A_502 = arith.index_cast %parallel_loop3A_500 : i32 to index
      %parallel_loop3A_503 = arith.constant 64 : index
      %parallel_loop3A_504 = tpu.vector_load %arg11[%parallel_loop3A_501, %parallel_loop3A_502, %parallel_loop3A_503] {strides = array<i32>} : memref<128x1x128xf32, #tpu.memory_space<vmem>>, vector<1x1x16xf32>,
      %parallel_loop3A_505 = vector.shape_cast %parallel_loop3A_504 : vector<1x1x16xf32> to vector<16xf32>
      %parallel_loop3A_506 = vector.shape_cast %get3A_102 : vector<16xf32> to vector<1x1x16xf32>
      tpu.vector_store %arg11[%parallel_loop3A_501, %parallel_loop3A_502, %parallel_loop3A_503], %parallel_loop3A_506 {add = true, strides = array<i32>} : memref<128x1x128xf32, #tpu.memory_space<vmem>>, vector<1x1x16xf32>,
      %parallel_loop3A_507 = arith.constant 0 : i32
      %parallel_loop3A_508 = arith.index_cast %parallel_loop3A_471 : i32 to index
      %parallel_loop3A_509 = arith.index_cast %parallel_loop3A_507 : i32 to index
      %parallel_loop3A_510 = arith.constant 80 : index
      %parallel_loop3A_511 = tpu.vector_load %arg11[%parallel_loop3A_508, %parallel_loop3A_509, %parallel_loop3A_510] {strides = array<i32>} : memref<128x1x128xf32, #tpu.memory_space<vmem>>, vector<1x1x16xf32>,
      %parallel_loop3A_512 = vector.shape_cast %parallel_loop3A_511 : vector<1x1x16xf32> to vector<16xf32>
      %parallel_loop3A_513 = vector.shape_cast %get3A_105 : vector<16xf32> to vector<1x1x16xf32>
      tpu.vector_store %arg11[%parallel_loop3A_508, %parallel_loop3A_509, %parallel_loop3A_510], %parallel_loop3A_513 {add = true, strides = array<i32>} : memref<128x1x128xf32, #tpu.memory_space<vmem>>, vector<1x1x16xf32>,
      %parallel_loop3A_514 = arith.constant 0 : i32
      %parallel_loop3A_515 = arith.index_cast %parallel_loop3A_471 : i32 to index
      %parallel_loop3A_516 = arith.index_cast %parallel_loop3A_514 : i32 to index
      %parallel_loop3A_517 = arith.constant 96 : index
      %parallel_loop3A_518 = tpu.vector_load %arg11[%parallel_loop3A_515, %parallel_loop3A_516, %parallel_loop3A_517] {strides = array<i32>} : memref<128x1x128xf32, #tpu.memory_space<vmem>>, vector<1x1x16xf32>,
      %parallel_loop3A_519 = vector.shape_cast %parallel_loop3A_518 : vector<1x1x16xf32> to vector<16xf32>
      %parallel_loop3A_520 = vector.shape_cast %get3A_108 : vector<16xf32> to vector<1x1x16xf32>
      tpu.vector_store %arg11[%parallel_loop3A_515, %parallel_loop3A_516, %parallel_loop3A_517], %parallel_loop3A_520 {add = true, strides = array<i32>} : memref<128x1x128xf32, #tpu.memory_space<vmem>>, vector<1x1x16xf32>,
      %parallel_loop3A_521 = arith.constant 0 : i32
      %parallel_loop3A_522 = arith.index_cast %parallel_loop3A_471 : i32 to index
      %parallel_loop3A_523 = arith.index_cast %parallel_loop3A_521 : i32 to index
      %parallel_loop3A_524 = arith.constant 112 : index
      %parallel_loop3A_525 = tpu.vector_load %arg11[%parallel_loop3A_522, %parallel_loop3A_523, %parallel_loop3A_524] {strides = array<i32>} : memref<128x1x128xf32, #tpu.memory_space<vmem>>, vector<1x1x16xf32>,
      %parallel_loop3A_526 = vector.shape_cast %parallel_loop3A_525 : vector<1x1x16xf32> to vector<16xf32>
      %parallel_loop3A_527 = vector.shape_cast %get3A_111 : vector<16xf32> to vector<1x1x16xf32>
      tpu.vector_store %arg11[%parallel_loop3A_522, %parallel_loop3A_523, %parallel_loop3A_524], %parallel_loop3A_527 {add = true, strides = array<i32>} : memref<128x1x128xf32, #tpu.memory_space<vmem>>, vector<1x1x16xf32>,
    } {sc.loop_unroll_factor = 1 : i64, sc.parallel_access}
    %dma_start3A_262 = arith.constant 32 : i32
    %dma_start3A_263 = arith.constant 0 : i32
    %dma_start3A_264 = arith.constant 0 : i32
    %dma_start3A_265 = tpu.memref_slice %arg11[%dma_start3A_262, %dma_start3A_263, %dma_start3A_264] : memref<128x1x128xf32, #tpu.memory_space<vmem>> -> memref<40x1x128xf32, #tpu.memory_space<vmem>>
    %dma_start3A_266 = arith.constant 0 : i32
    %dma_start3A_267 = arith.constant 0 : i32
    %dma_start3A_268 = tpu.memref_slice %arg8[%add3A_248, %dma_start3A_266, %dma_start3A_267] : memref<4096x2x128xf32, #tpu.memory_space<hbm>> -> memref<40x1x128xf32, #tpu.memory_space<hbm>>
    %dma_start3A_269 = arith.constant 0 : i32
    %dma_start3A_270 = arith.constant 0 : i32
    %dma_start3A_271 = tpu.memref_slice %arg8[%add3A_248, %dma_start3A_269, %dma_start3A_270] : memref<4096x2x128xf32, #tpu.memory_space<hbm>> -> memref<40x1x128xf32, #tpu.memory_space<hbm>>
    %dma_start3A_272 = arith.constant 32 : i32
    %dma_start3A_273 = arith.constant 0 : i32
    %dma_start3A_274 = arith.constant 0 : i32
    %dma_start3A_275 = tpu.memref_slice %arg11[%dma_start3A_272, %dma_start3A_273, %dma_start3A_274] : memref<128x1x128xf32, #tpu.memory_space<vmem>> -> memref<40x1x128xf32, #tpu.memory_space<vmem>>
    tpu.enqueue_dma source(%dma_start3A_275 : memref<40x1x128xf32, #tpu.memory_space<vmem>>) target(%dma_start3A_271 : memref<40x1x128xf32, #tpu.memory_space<hbm>>) target_semaphore(%arg25 : memref<!tpu.dma_semaphore, #tpu.memory_space<semaphore_mem>>)
    %dma_wait3A_276 = arith.constant 32 : i32
    %dma_wait3A_277 = arith.constant 0 : i32
    %dma_wait3A_278 = arith.constant 0 : i32
    %dma_wait3A_279 = tpu.memref_slice %arg12[%dma_wait3A_276, %dma_wait3A_277, %dma_wait3A_278] : memref<128x1x128xf32, #tpu.memory_space<vmem>> -> memref<40x1x128xf32, #tpu.memory_space<vmem>>
    %dma_wait3A_280 = arith.constant 32 : i32
    %dma_wait3A_281 = tpu.memref_slice %arg10[%dma_wait3A_280] : memref<128xi32, #tpu.memory_space<vmem>> -> memref<40xi32, #tpu.memory_space<vmem>>
    %dma_wait3A_282 = arith.constant 0 : i32
    %dma_wait3A_283 = arith.constant 0 : i32
    %dma_wait3A_284 = arith.constant 0 : i32
    %dma_wait3A_285 = tpu.memref_slice %arg5[%dma_wait3A_282, %dma_wait3A_283, %dma_wait3A_284] : memref<1000x1x128xf32, #tpu.memory_space<hbm>> -> memref<1000x1x128xf32, #tpu.memory_space<hbm>>
    tpu.wait_indirect_dma semaphore(%arg21 : memref<!tpu.dma_semaphore, #tpu.memory_space<semaphore_mem>>) src(%dma_wait3A_285 : memref<1000x1x128xf32, #tpu.memory_space<hbm>>) dst(%dma_wait3A_279 : memref<40x1x128xf32, #tpu.memory_space<vmem>>)
    %parallel_loop3A_286 = arith.constant 32 : i32
    %parallel_loop3A_287 = arith.constant 72 : i32
    %parallel_loop3A_288 = arith.constant 1 : i32
    scf.for %parallel_loop3A_471 = %parallel_loop3A_286 to %parallel_loop3A_287 step %parallel_loop3A_288  : i32 {
      %parallel_loop3A_472 = arith.constant 0 : i32
      %parallel_loop3A_473 = arith.index_cast %parallel_loop3A_471 : i32 to index
      %parallel_loop3A_474 = arith.index_cast %parallel_loop3A_472 : i32 to index
      %parallel_loop3A_475 = arith.constant 0 : index
      %parallel_loop3A_476 = tpu.vector_load %arg12[%parallel_loop3A_473, %parallel_loop3A_474, %parallel_loop3A_475] {strides = array<i32>} : memref<128x1x128xf32, #tpu.memory_space<vmem>>, vector<1x1x16xf32>,
      %parallel_loop3A_477 = vector.shape_cast %parallel_loop3A_476 : vector<1x1x16xf32> to vector<16xf32>
      %parallel_loop3A_478 = vector.shape_cast %get3A_114 : vector<16xf32> to vector<1x1x16xf32>
      tpu.vector_store %arg12[%parallel_loop3A_473, %parallel_loop3A_474, %parallel_loop3A_475], %parallel_loop3A_478 {add = true, strides = array<i32>} : memref<128x1x128xf32, #tpu.memory_space<vmem>>, vector<1x1x16xf32>,
      %parallel_loop3A_479 = arith.constant 0 : i32
      %parallel_loop3A_480 = arith.index_cast %parallel_loop3A_471 : i32 to index
      %parallel_loop3A_481 = arith.index_cast %parallel_loop3A_479 : i32 to index
      %parallel_loop3A_482 = arith.constant 16 : index
      %parallel_loop3A_483 = tpu.vector_load %arg12[%parallel_loop3A_480, %parallel_loop3A_481, %parallel_loop3A_482] {strides = array<i32>} : memref<128x1x128xf32, #tpu.memory_space<vmem>>, vector<1x1x16xf32>,
      %parallel_loop3A_484 = vector.shape_cast %parallel_loop3A_483 : vector<1x1x16xf32> to vector<16xf32>
      %parallel_loop3A_485 = vector.shape_cast %get3A_117 : vector<16xf32> to vector<1x1x16xf32>
      tpu.vector_store %arg12[%parallel_loop3A_480, %parallel_loop3A_481, %parallel_loop3A_482], %parallel_loop3A_485 {add = true, strides = array<i32>} : memref<128x1x128xf32, #tpu.memory_space<vmem>>, vector<1x1x16xf32>,
      %parallel_loop3A_486 = arith.constant 0 : i32
      %parallel_loop3A_487 = arith.index_cast %parallel_loop3A_471 : i32 to index
      %parallel_loop3A_488 = arith.index_cast %parallel_loop3A_486 : i32 to index
      %parallel_loop3A_489 = arith.constant 32 : index
      %parallel_loop3A_490 = tpu.vector_load %arg12[%parallel_loop3A_487, %parallel_loop3A_488, %parallel_loop3A_489] {strides = array<i32>} : memref<128x1x128xf32, #tpu.memory_space<vmem>>, vector<1x1x16xf32>,
      %parallel_loop3A_491 = vector.shape_cast %parallel_loop3A_490 : vector<1x1x16xf32> to vector<16xf32>
      %parallel_loop3A_492 = vector.shape_cast %get3A_120 : vector<16xf32> to vector<1x1x16xf32>
      tpu.vector_store %arg12[%parallel_loop3A_487, %parallel_loop3A_488, %parallel_loop3A_489], %parallel_loop3A_492 {add = true, strides = array<i32>} : memref<128x1x128xf32, #tpu.memory_space<vmem>>, vector<1x1x16xf32>,
      %parallel_loop3A_493 = arith.constant 0 : i32
      %parallel_loop3A_494 = arith.index_cast %parallel_loop3A_471 : i32 to index
      %parallel_loop3A_495 = arith.index_cast %parallel_loop3A_493 : i32 to index
      %parallel_loop3A_496 = arith.constant 48 : index
      %parallel_loop3A_497 = tpu.vector_load %arg12[%parallel_loop3A_494, %parallel_loop3A_495, %parallel_loop3A_496] {strides = array<i32>} : memref<128x1x128xf32, #tpu.memory_space<vmem>>, vector<1x1x16xf32>,
      %parallel_loop3A_498 = vector.shape_cast %parallel_loop3A_497 : vector<1x1x16xf32> to vector<16xf32>
      %parallel_loop3A_499 = vector.shape_cast %get3A_123 : vector<16xf32> to vector<1x1x16xf32>
      tpu.vector_store %arg12[%parallel_loop3A_494, %parallel_loop3A_495, %parallel_loop3A_496], %parallel_loop3A_499 {add = true, strides = array<i32>} : memref<128x1x128xf32, #tpu.memory_space<vmem>>, vector<1x1x16xf32>,
      %parallel_loop3A_500 = arith.constant 0 : i32
      %parallel_loop3A_501 = arith.index_cast %parallel_loop3A_471 : i32 to index
      %parallel_loop3A_502 = arith.index_cast %parallel_loop3A_500 : i32 to index
      %parallel_loop3A_503 = arith.constant 64 : index
      %parallel_loop3A_504 = tpu.vector_load %arg12[%parallel_loop3A_501, %parallel_loop3A_502, %parallel_loop3A_503] {strides = array<i32>} : memref<128x1x128xf32, #tpu.memory_space<vmem>>, vector<1x1x16xf32>,
      %parallel_loop3A_505 = vector.shape_cast %parallel_loop3A_504 : vector<1x1x16xf32> to vector<16xf32>
      %parallel_loop3A_506 = vector.shape_cast %get3A_126 : vector<16xf32> to vector<1x1x16xf32>
      tpu.vector_store %arg12[%parallel_loop3A_501, %parallel_loop3A_502, %parallel_loop3A_503], %parallel_loop3A_506 {add = true, strides = array<i32>} : memref<128x1x128xf32, #tpu.memory_space<vmem>>, vector<1x1x16xf32>,
      %parallel_loop3A_507 = arith.constant 0 : i32
      %parallel_loop3A_508 = arith.index_cast %parallel_loop3A_471 : i32 to index
      %parallel_loop3A_509 = arith.index_cast %parallel_loop3A_507 : i32 to index
      %parallel_loop3A_510 = arith.constant 80 : index
      %parallel_loop3A_511 = tpu.vector_load %arg12[%parallel_loop3A_508, %parallel_loop3A_509, %parallel_loop3A_510] {strides = array<i32>} : memref<128x1x128xf32, #tpu.memory_space<vmem>>, vector<1x1x16xf32>,
      %parallel_loop3A_512 = vector.shape_cast %parallel_loop3A_511 : vector<1x1x16xf32> to vector<16xf32>
      %parallel_loop3A_513 = vector.shape_cast %get3A_129 : vector<16xf32> to vector<1x1x16xf32>
      tpu.vector_store %arg12[%parallel_loop3A_508, %parallel_loop3A_509, %parallel_loop3A_510], %parallel_loop3A_513 {add = true, strides = array<i32>} : memref<128x1x128xf32, #tpu.memory_space<vmem>>, vector<1x1x16xf32>,
      %parallel_loop3A_514 = arith.constant 0 : i32
      %parallel_loop3A_515 = arith.index_cast %parallel_loop3A_471 : i32 to index
      %parallel_loop3A_516 = arith.index_cast %parallel_loop3A_514 : i32 to index
      %parallel_loop3A_517 = arith.constant 96 : index
      %parallel_loop3A_518 = tpu.vector_load %arg12[%parallel_loop3A_515, %parallel_loop3A_516, %parallel_loop3A_517] {strides = array<i32>} : memref<128x1x128xf32, #tpu.memory_space<vmem>>, vector<1x1x16xf32>,
      %parallel_loop3A_519 = vector.shape_cast %parallel_loop3A_518 : vector<1x1x16xf32> to vector<16xf32>
      %parallel_loop3A_520 = vector.shape_cast %get3A_132 : vector<16xf32> to vector<1x1x16xf32>
      tpu.vector_store %arg12[%parallel_loop3A_515, %parallel_loop3A_516, %parallel_loop3A_517], %parallel_loop3A_520 {add = true, strides = array<i32>} : memref<128x1x128xf32, #tpu.memory_space<vmem>>, vector<1x1x16xf32>,
      %parallel_loop3A_521 = arith.constant 0 : i32
      %parallel_loop3A_522 = arith.index_cast %parallel_loop3A_471 : i32 to index
      %parallel_loop3A_523 = arith.index_cast %parallel_loop3A_521 : i32 to index
      %parallel_loop3A_524 = arith.constant 112 : index
      %parallel_loop3A_525 = tpu.vector_load %arg12[%parallel_loop3A_522, %parallel_loop3A_523, %parallel_loop3A_524] {strides = array<i32>} : memref<128x1x128xf32, #tpu.memory_space<vmem>>, vector<1x1x16xf32>,
      %parallel_loop3A_526 = vector.shape_cast %parallel_loop3A_525 : vector<1x1x16xf32> to vector<16xf32>
      %parallel_loop3A_527 = vector.shape_cast %get3A_135 : vector<16xf32> to vector<1x1x16xf32>
      tpu.vector_store %arg12[%parallel_loop3A_522, %parallel_loop3A_523, %parallel_loop3A_524], %parallel_loop3A_527 {add = true, strides = array<i32>} : memref<128x1x128xf32, #tpu.memory_space<vmem>>, vector<1x1x16xf32>,
    } {sc.loop_unroll_factor = 1 : i64, sc.parallel_access}
    %dma_start3A_289 = arith.constant 32 : i32
    %dma_start3A_290 = arith.constant 0 : i32
    %dma_start3A_291 = arith.constant 0 : i32
    %dma_start3A_292 = tpu.memref_slice %arg12[%dma_start3A_289, %dma_start3A_290, %dma_start3A_291] : memref<128x1x128xf32, #tpu.memory_space<vmem>> -> memref<40x1x128xf32, #tpu.memory_space<vmem>>
    %dma_start3A_293 = arith.constant 1 : i32
    %dma_start3A_294 = arith.constant 0 : i32
    %dma_start3A_295 = tpu.memref_slice %arg8[%add3A_248, %dma_start3A_293, %dma_start3A_294] : memref<4096x2x128xf32, #tpu.memory_space<hbm>> -> memref<40x1x128xf32, #tpu.memory_space<hbm>>
    %dma_start3A_296 = arith.constant 1 : i32
    %dma_start3A_297 = arith.constant 0 : i32
    %dma_start3A_298 = tpu.memref_slice %arg8[%add3A_248, %dma_start3A_296, %dma_start3A_297] : memref<4096x2x128xf32, #tpu.memory_space<hbm>> -> memref<40x1x128xf32, #tpu.memory_space<hbm>>
    %dma_start3A_299 = arith.constant 32 : i32
    %dma_start3A_300 = arith.constant 0 : i32
    %dma_start3A_301 = arith.constant 0 : i32
    %dma_start3A_302 = tpu.memref_slice %arg12[%dma_start3A_299, %dma_start3A_300, %dma_start3A_301] : memref<128x1x128xf32, #tpu.memory_space<vmem>> -> memref<40x1x128xf32, #tpu.memory_space<vmem>>
    tpu.enqueue_dma source(%dma_start3A_302 : memref<40x1x128xf32, #tpu.memory_space<vmem>>) target(%dma_start3A_298 : memref<40x1x128xf32, #tpu.memory_space<hbm>>) target_semaphore(%arg29 : memref<!tpu.dma_semaphore, #tpu.memory_space<semaphore_mem>>)
    %add3A_303 = arith.constant 72 : i32
    %add3A_304 = arith.addi %mul3A_2, %add3A_303 : i32
    %dma_wait3A_305 = arith.constant 72 : i32
    %dma_wait3A_306 = arith.constant 0 : i32
    %dma_wait3A_307 = arith.constant 0 : i32
    %dma_wait3A_308 = tpu.memref_slice %arg11[%dma_wait3A_305, %dma_wait3A_306, %dma_wait3A_307] : memref<128x1x128xf32, #tpu.memory_space<vmem>> -> memref<56x1x128xf32, #tpu.memory_space<vmem>>
    %dma_wait3A_309 = arith.constant 72 : i32
    %dma_wait3A_310 = tpu.memref_slice %arg9[%dma_wait3A_309] : memref<128xi32, #tpu.memory_space<vmem>> -> memref<56xi32, #tpu.memory_space<vmem>>
    %dma_wait3A_311 = arith.constant 0 : i32
    %dma_wait3A_312 = arith.constant 0 : i32
    %dma_wait3A_313 = arith.constant 0 : i32
    %dma_wait3A_314 = tpu.memref_slice %arg4[%dma_wait3A_311, %dma_wait3A_312, %dma_wait3A_313] : memref<1000x1x128xf32, #tpu.memory_space<hbm>> -> memref<1000x1x128xf32, #tpu.memory_space<hbm>>
    tpu.wait_indirect_dma semaphore(%arg18 : memref<!tpu.dma_semaphore, #tpu.memory_space<semaphore_mem>>) src(%dma_wait3A_314 : memref<1000x1x128xf32, #tpu.memory_space<hbm>>) dst(%dma_wait3A_308 : memref<56x1x128xf32, #tpu.memory_space<vmem>>)
    %parallel_loop3A_315 = arith.constant 72 : i32
    %parallel_loop3A_316 = arith.constant 128 : i32
    %parallel_loop3A_317 = arith.constant 1 : i32
    scf.for %parallel_loop3A_471 = %parallel_loop3A_315 to %parallel_loop3A_316 step %parallel_loop3A_317  : i32 {
      %parallel_loop3A_472 = arith.constant 0 : i32
      %parallel_loop3A_473 = arith.index_cast %parallel_loop3A_471 : i32 to index
      %parallel_loop3A_474 = arith.index_cast %parallel_loop3A_472 : i32 to index
      %parallel_loop3A_475 = arith.constant 0 : index
      %parallel_loop3A_476 = tpu.vector_load %arg11[%parallel_loop3A_473, %parallel_loop3A_474, %parallel_loop3A_475] {strides = array<i32>} : memref<128x1x128xf32, #tpu.memory_space<vmem>>, vector<1x1x16xf32>,
      %parallel_loop3A_477 = vector.shape_cast %parallel_loop3A_476 : vector<1x1x16xf32> to vector<16xf32>
      %parallel_loop3A_478 = vector.shape_cast %get3A_90 : vector<16xf32> to vector<1x1x16xf32>
      tpu.vector_store %arg11[%parallel_loop3A_473, %parallel_loop3A_474, %parallel_loop3A_475], %parallel_loop3A_478 {add = true, strides = array<i32>} : memref<128x1x128xf32, #tpu.memory_space<vmem>>, vector<1x1x16xf32>,
      %parallel_loop3A_479 = arith.constant 0 : i32
      %parallel_loop3A_480 = arith.index_cast %parallel_loop3A_471 : i32 to index
      %parallel_loop3A_481 = arith.index_cast %parallel_loop3A_479 : i32 to index
      %parallel_loop3A_482 = arith.constant 16 : index
      %parallel_loop3A_483 = tpu.vector_load %arg11[%parallel_loop3A_480, %parallel_loop3A_481, %parallel_loop3A_482] {strides = array<i32>} : memref<128x1x128xf32, #tpu.memory_space<vmem>>, vector<1x1x16xf32>,
      %parallel_loop3A_484 = vector.shape_cast %parallel_loop3A_483 : vector<1x1x16xf32> to vector<16xf32>
      %parallel_loop3A_485 = vector.shape_cast %get3A_93 : vector<16xf32> to vector<1x1x16xf32>
      tpu.vector_store %arg11[%parallel_loop3A_480, %parallel_loop3A_481, %parallel_loop3A_482], %parallel_loop3A_485 {add = true, strides = array<i32>} : memref<128x1x128xf32, #tpu.memory_space<vmem>>, vector<1x1x16xf32>,
      %parallel_loop3A_486 = arith.constant 0 : i32
      %parallel_loop3A_487 = arith.index_cast %parallel_loop3A_471 : i32 to index
      %parallel_loop3A_488 = arith.index_cast %parallel_loop3A_486 : i32 to index
      %parallel_loop3A_489 = arith.constant 32 : index
      %parallel_loop3A_490 = tpu.vector_load %arg11[%parallel_loop3A_487, %parallel_loop3A_488, %parallel_loop3A_489] {strides = array<i32>} : memref<128x1x128xf32, #tpu.memory_space<vmem>>, vector<1x1x16xf32>,
      %parallel_loop3A_491 = vector.shape_cast %parallel_loop3A_490 : vector<1x1x16xf32> to vector<16xf32>
      %parallel_loop3A_492 = vector.shape_cast %get3A_96 : vector<16xf32> to vector<1x1x16xf32>
      tpu.vector_store %arg11[%parallel_loop3A_487, %parallel_loop3A_488, %parallel_loop3A_489], %parallel_loop3A_492 {add = true, strides = array<i32>} : memref<128x1x128xf32, #tpu.memory_space<vmem>>, vector<1x1x16xf32>,
      %parallel_loop3A_493 = arith.constant 0 : i32
      %parallel_loop3A_494 = arith.index_cast %parallel_loop3A_471 : i32 to index
      %parallel_loop3A_495 = arith.index_cast %parallel_loop3A_493 : i32 to index
      %parallel_loop3A_496 = arith.constant 48 : index
      %parallel_loop3A_497 = tpu.vector_load %arg11[%parallel_loop3A_494, %parallel_loop3A_495, %parallel_loop3A_496] {strides = array<i32>} : memref<128x1x128xf32, #tpu.memory_space<vmem>>, vector<1x1x16xf32>,
      %parallel_loop3A_498 = vector.shape_cast %parallel_loop3A_497 : vector<1x1x16xf32> to vector<16xf32>
      %parallel_loop3A_499 = vector.shape_cast %get3A_99 : vector<16xf32> to vector<1x1x16xf32>
      tpu.vector_store %arg11[%parallel_loop3A_494, %parallel_loop3A_495, %parallel_loop3A_496], %parallel_loop3A_499 {add = true, strides = array<i32>} : memref<128x1x128xf32, #tpu.memory_space<vmem>>, vector<1x1x16xf32>,
      %parallel_loop3A_500 = arith.constant 0 : i32
      %parallel_loop3A_501 = arith.index_cast %parallel_loop3A_471 : i32 to index
      %parallel_loop3A_502 = arith.index_cast %parallel_loop3A_500 : i32 to index
      %parallel_loop3A_503 = arith.constant 64 : index
      %parallel_loop3A_504 = tpu.vector_load %arg11[%parallel_loop3A_501, %parallel_loop3A_502, %parallel_loop3A_503] {strides = array<i32>} : memref<128x1x128xf32, #tpu.memory_space<vmem>>, vector<1x1x16xf32>,
      %parallel_loop3A_505 = vector.shape_cast %parallel_loop3A_504 : vector<1x1x16xf32> to vector<16xf32>
      %parallel_loop3A_506 = vector.shape_cast %get3A_102 : vector<16xf32> to vector<1x1x16xf32>
      tpu.vector_store %arg11[%parallel_loop3A_501, %parallel_loop3A_502, %parallel_loop3A_503], %parallel_loop3A_506 {add = true, strides = array<i32>} : memref<128x1x128xf32, #tpu.memory_space<vmem>>, vector<1x1x16xf32>,
      %parallel_loop3A_507 = arith.constant 0 : i32
      %parallel_loop3A_508 = arith.index_cast %parallel_loop3A_471 : i32 to index
      %parallel_loop3A_509 = arith.index_cast %parallel_loop3A_507 : i32 to index
      %parallel_loop3A_510 = arith.constant 80 : index
      %parallel_loop3A_511 = tpu.vector_load %arg11[%parallel_loop3A_508, %parallel_loop3A_509, %parallel_loop3A_510] {strides = array<i32>} : memref<128x1x128xf32, #tpu.memory_space<vmem>>, vector<1x1x16xf32>,
      %parallel_loop3A_512 = vector.shape_cast %parallel_loop3A_511 : vector<1x1x16xf32> to vector<16xf32>
      %parallel_loop3A_513 = vector.shape_cast %get3A_105 : vector<16xf32> to vector<1x1x16xf32>
      tpu.vector_store %arg11[%parallel_loop3A_508, %parallel_loop3A_509, %parallel_loop3A_510], %parallel_loop3A_513 {add = true, strides = array<i32>} : memref<128x1x128xf32, #tpu.memory_space<vmem>>, vector<1x1x16xf32>,
      %parallel_loop3A_514 = arith.constant 0 : i32
      %parallel_loop3A_515 = arith.index_cast %parallel_loop3A_471 : i32 to index
      %parallel_loop3A_516 = arith.index_cast %parallel_loop3A_514 : i32 to index
      %parallel_loop3A_517 = arith.constant 96 : index
      %parallel_loop3A_518 = tpu.vector_load %arg11[%parallel_loop3A_515, %parallel_loop3A_516, %parallel_loop3A_517] {strides = array<i32>} : memref<128x1x128xf32, #tpu.memory_space<vmem>>, vector<1x1x16xf32>,
      %parallel_loop3A_519 = vector.shape_cast %parallel_loop3A_518 : vector<1x1x16xf32> to vector<16xf32>
      %parallel_loop3A_520 = vector.shape_cast %get3A_108 : vector<16xf32> to vector<1x1x16xf32>
      tpu.vector_store %arg11[%parallel_loop3A_515, %parallel_loop3A_516, %parallel_loop3A_517], %parallel_loop3A_520 {add = true, strides = array<i32>} : memref<128x1x128xf32, #tpu.memory_space<vmem>>, vector<1x1x16xf32>,
      %parallel_loop3A_521 = arith.constant 0 : i32
      %parallel_loop3A_522 = arith.index_cast %parallel_loop3A_471 : i32 to index
      %parallel_loop3A_523 = arith.index_cast %parallel_loop3A_521 : i32 to index
      %parallel_loop3A_524 = arith.constant 112 : index
      %parallel_loop3A_525 = tpu.vector_load %arg11[%parallel_loop3A_522, %parallel_loop3A_523, %parallel_loop3A_524] {strides = array<i32>} : memref<128x1x128xf32, #tpu.memory_space<vmem>>, vector<1x1x16xf32>,
      %parallel_loop3A_526 = vector.shape_cast %parallel_loop3A_525 : vector<1x1x16xf32> to vector<16xf32>
      %parallel_loop3A_527 = vector.shape_cast %get3A_111 : vector<16xf32> to vector<1x1x16xf32>
      tpu.vector_store %arg11[%parallel_loop3A_522, %parallel_loop3A_523, %parallel_loop3A_524], %parallel_loop3A_527 {add = true, strides = array<i32>} : memref<128x1x128xf32, #tpu.memory_space<vmem>>, vector<1x1x16xf32>,
    } {sc.loop_unroll_factor = 1 : i64, sc.parallel_access}
    %dma_start3A_318 = arith.constant 72 : i32
    %dma_start3A_319 = arith.constant 0 : i32
    %dma_start3A_320 = arith.constant 0 : i32
    %dma_start3A_321 = tpu.memref_slice %arg11[%dma_start3A_318, %dma_start3A_319, %dma_start3A_320] : memref<128x1x128xf32, #tpu.memory_space<vmem>> -> memref<56x1x128xf32, #tpu.memory_space<vmem>>
    %dma_start3A_322 = arith.constant 0 : i32
    %dma_start3A_323 = arith.constant 0 : i32
    %dma_start3A_324 = tpu.memref_slice %arg8[%add3A_304, %dma_start3A_322, %dma_start3A_323] : memref<4096x2x128xf32, #tpu.memory_space<hbm>> -> memref<56x1x128xf32, #tpu.memory_space<hbm>>
    %dma_start3A_325 = arith.constant 0 : i32
    %dma_start3A_326 = arith.constant 0 : i32
    %dma_start3A_327 = tpu.memref_slice %arg8[%add3A_304, %dma_start3A_325, %dma_start3A_326] : memref<4096x2x128xf32, #tpu.memory_space<hbm>> -> memref<56x1x128xf32, #tpu.memory_space<hbm>>
    %dma_start3A_328 = arith.constant 72 : i32
    %dma_start3A_329 = arith.constant 0 : i32
    %dma_start3A_330 = arith.constant 0 : i32
    %dma_start3A_331 = tpu.memref_slice %arg11[%dma_start3A_328, %dma_start3A_329, %dma_start3A_330] : memref<128x1x128xf32, #tpu.memory_space<vmem>> -> memref<56x1x128xf32, #tpu.memory_space<vmem>>
    tpu.enqueue_dma source(%dma_start3A_331 : memref<56x1x128xf32, #tpu.memory_space<vmem>>) target(%dma_start3A_327 : memref<56x1x128xf32, #tpu.memory_space<hbm>>) target_semaphore(%arg26 : memref<!tpu.dma_semaphore, #tpu.memory_space<semaphore_mem>>)
    %dma_wait3A_332 = arith.constant 72 : i32
    %dma_wait3A_333 = arith.constant 0 : i32
    %dma_wait3A_334 = arith.constant 0 : i32
    %dma_wait3A_335 = tpu.memref_slice %arg12[%dma_wait3A_332, %dma_wait3A_333, %dma_wait3A_334] : memref<128x1x128xf32, #tpu.memory_space<vmem>> -> memref<56x1x128xf32, #tpu.memory_space<vmem>>
    %dma_wait3A_336 = arith.constant 72 : i32
    %dma_wait3A_337 = tpu.memref_slice %arg10[%dma_wait3A_336] : memref<128xi32, #tpu.memory_space<vmem>> -> memref<56xi32, #tpu.memory_space<vmem>>
    %dma_wait3A_338 = arith.constant 0 : i32
    %dma_wait3A_339 = arith.constant 0 : i32
    %dma_wait3A_340 = arith.constant 0 : i32
    %dma_wait3A_341 = tpu.memref_slice %arg5[%dma_wait3A_338, %dma_wait3A_339, %dma_wait3A_340] : memref<1000x1x128xf32, #tpu.memory_space<hbm>> -> memref<1000x1x128xf32, #tpu.memory_space<hbm>>
    tpu.wait_indirect_dma semaphore(%arg22 : memref<!tpu.dma_semaphore, #tpu.memory_space<semaphore_mem>>) src(%dma_wait3A_341 : memref<1000x1x128xf32, #tpu.memory_space<hbm>>) dst(%dma_wait3A_335 : memref<56x1x128xf32, #tpu.memory_space<vmem>>)
    %parallel_loop3A_342 = arith.constant 72 : i32
    %parallel_loop3A_343 = arith.constant 128 : i32
    %parallel_loop3A_344 = arith.constant 1 : i32
    scf.for %parallel_loop3A_471 = %parallel_loop3A_342 to %parallel_loop3A_343 step %parallel_loop3A_344  : i32 {
      %parallel_loop3A_472 = arith.constant 0 : i32
      %parallel_loop3A_473 = arith.index_cast %parallel_loop3A_471 : i32 to index
      %parallel_loop3A_474 = arith.index_cast %parallel_loop3A_472 : i32 to index
      %parallel_loop3A_475 = arith.constant 0 : index
      %parallel_loop3A_476 = tpu.vector_load %arg12[%parallel_loop3A_473, %parallel_loop3A_474, %parallel_loop3A_475] {strides = array<i32>} : memref<128x1x128xf32, #tpu.memory_space<vmem>>, vector<1x1x16xf32>,
      %parallel_loop3A_477 = vector.shape_cast %parallel_loop3A_476 : vector<1x1x16xf32> to vector<16xf32>
      %parallel_loop3A_478 = vector.shape_cast %get3A_114 : vector<16xf32> to vector<1x1x16xf32>
      tpu.vector_store %arg12[%parallel_loop3A_473, %parallel_loop3A_474, %parallel_loop3A_475], %parallel_loop3A_478 {add = true, strides = array<i32>} : memref<128x1x128xf32, #tpu.memory_space<vmem>>, vector<1x1x16xf32>,
      %parallel_loop3A_479 = arith.constant 0 : i32
      %parallel_loop3A_480 = arith.index_cast %parallel_loop3A_471 : i32 to index
      %parallel_loop3A_481 = arith.index_cast %parallel_loop3A_479 : i32 to index
      %parallel_loop3A_482 = arith.constant 16 : index
      %parallel_loop3A_483 = tpu.vector_load %arg12[%parallel_loop3A_480, %parallel_loop3A_481, %parallel_loop3A_482] {strides = array<i32>} : memref<128x1x128xf32, #tpu.memory_space<vmem>>, vector<1x1x16xf32>,
      %parallel_loop3A_484 = vector.shape_cast %parallel_loop3A_483 : vector<1x1x16xf32> to vector<16xf32>
      %parallel_loop3A_485 = vector.shape_cast %get3A_117 : vector<16xf32> to vector<1x1x16xf32>
      tpu.vector_store %arg12[%parallel_loop3A_480, %parallel_loop3A_481, %parallel_loop3A_482], %parallel_loop3A_485 {add = true, strides = array<i32>} : memref<128x1x128xf32, #tpu.memory_space<vmem>>, vector<1x1x16xf32>,
      %parallel_loop3A_486 = arith.constant 0 : i32
      %parallel_loop3A_487 = arith.index_cast %parallel_loop3A_471 : i32 to index
      %parallel_loop3A_488 = arith.index_cast %parallel_loop3A_486 : i32 to index
      %parallel_loop3A_489 = arith.constant 32 : index
      %parallel_loop3A_490 = tpu.vector_load %arg12[%parallel_loop3A_487, %parallel_loop3A_488, %parallel_loop3A_489] {strides = array<i32>} : memref<128x1x128xf32, #tpu.memory_space<vmem>>, vector<1x1x16xf32>,
      %parallel_loop3A_491 = vector.shape_cast %parallel_loop3A_490 : vector<1x1x16xf32> to vector<16xf32>
      %parallel_loop3A_492 = vector.shape_cast %get3A_120 : vector<16xf32> to vector<1x1x16xf32>
      tpu.vector_store %arg12[%parallel_loop3A_487, %parallel_loop3A_488, %parallel_loop3A_489], %parallel_loop3A_492 {add = true, strides = array<i32>} : memref<128x1x128xf32, #tpu.memory_space<vmem>>, vector<1x1x16xf32>,
      %parallel_loop3A_493 = arith.constant 0 : i32
      %parallel_loop3A_494 = arith.index_cast %parallel_loop3A_471 : i32 to index
      %parallel_loop3A_495 = arith.index_cast %parallel_loop3A_493 : i32 to index
      %parallel_loop3A_496 = arith.constant 48 : index
      %parallel_loop3A_497 = tpu.vector_load %arg12[%parallel_loop3A_494, %parallel_loop3A_495, %parallel_loop3A_496] {strides = array<i32>} : memref<128x1x128xf32, #tpu.memory_space<vmem>>, vector<1x1x16xf32>,
      %parallel_loop3A_498 = vector.shape_cast %parallel_loop3A_497 : vector<1x1x16xf32> to vector<16xf32>
      %parallel_loop3A_499 = vector.shape_cast %get3A_123 : vector<16xf32> to vector<1x1x16xf32>
      tpu.vector_store %arg12[%parallel_loop3A_494, %parallel_loop3A_495, %parallel_loop3A_496], %parallel_loop3A_499 {add = true, strides = array<i32>} : memref<128x1x128xf32, #tpu.memory_space<vmem>>, vector<1x1x16xf32>,
      %parallel_loop3A_500 = arith.constant 0 : i32
      %parallel_loop3A_501 = arith.index_cast %parallel_loop3A_471 : i32 to index
      %parallel_loop3A_502 = arith.index_cast %parallel_loop3A_500 : i32 to index
      %parallel_loop3A_503 = arith.constant 64 : index
      %parallel_loop3A_504 = tpu.vector_load %arg12[%parallel_loop3A_501, %parallel_loop3A_502, %parallel_loop3A_503] {strides = array<i32>} : memref<128x1x128xf32, #tpu.memory_space<vmem>>, vector<1x1x16xf32>,
      %parallel_loop3A_505 = vector.shape_cast %parallel_loop3A_504 : vector<1x1x16xf32> to vector<16xf32>
      %parallel_loop3A_506 = vector.shape_cast %get3A_126 : vector<16xf32> to vector<1x1x16xf32>
      tpu.vector_store %arg12[%parallel_loop3A_501, %parallel_loop3A_502, %parallel_loop3A_503], %parallel_loop3A_506 {add = true, strides = array<i32>} : memref<128x1x128xf32, #tpu.memory_space<vmem>>, vector<1x1x16xf32>,
      %parallel_loop3A_507 = arith.constant 0 : i32
      %parallel_loop3A_508 = arith.index_cast %parallel_loop3A_471 : i32 to index
      %parallel_loop3A_509 = arith.index_cast %parallel_loop3A_507 : i32 to index
      %parallel_loop3A_510 = arith.constant 80 : index
      %parallel_loop3A_511 = tpu.vector_load %arg12[%parallel_loop3A_508, %parallel_loop3A_509, %parallel_loop3A_510] {strides = array<i32>} : memref<128x1x128xf32, #tpu.memory_space<vmem>>, vector<1x1x16xf32>,
      %parallel_loop3A_512 = vector.shape_cast %parallel_loop3A_511 : vector<1x1x16xf32> to vector<16xf32>
      %parallel_loop3A_513 = vector.shape_cast %get3A_129 : vector<16xf32> to vector<1x1x16xf32>
      tpu.vector_store %arg12[%parallel_loop3A_508, %parallel_loop3A_509, %parallel_loop3A_510], %parallel_loop3A_513 {add = true, strides = array<i32>} : memref<128x1x128xf32, #tpu.memory_space<vmem>>, vector<1x1x16xf32>,
      %parallel_loop3A_514 = arith.constant 0 : i32
      %parallel_loop3A_515 = arith.index_cast %parallel_loop3A_471 : i32 to index
      %parallel_loop3A_516 = arith.index_cast %parallel_loop3A_514 : i32 to index
      %parallel_loop3A_517 = arith.constant 96 : index
      %parallel_loop3A_518 = tpu.vector_load %arg12[%parallel_loop3A_515, %parallel_loop3A_516, %parallel_loop3A_517] {strides = array<i32>} : memref<128x1x128xf32, #tpu.memory_space<vmem>>, vector<1x1x16xf32>,
      %parallel_loop3A_519 = vector.shape_cast %parallel_loop3A_518 : vector<1x1x16xf32> to vector<16xf32>
      %parallel_loop3A_520 = vector.shape_cast %get3A_132 : vector<16xf32> to vector<1x1x16xf32>
      tpu.vector_store %arg12[%parallel_loop3A_515, %parallel_loop3A_516, %parallel_loop3A_517], %parallel_loop3A_520 {add = true, strides = array<i32>} : memref<128x1x128xf32, #tpu.memory_space<vmem>>, vector<1x1x16xf32>,
      %parallel_loop3A_521 = arith.constant 0 : i32
      %parallel_loop3A_522 = arith.index_cast %parallel_loop3A_471 : i32 to index
      %parallel_loop3A_523 = arith.index_cast %parallel_loop3A_521 : i32 to index
      %parallel_loop3A_524 = arith.constant 112 : index
      %parallel_loop3A_525 = tpu.vector_load %arg12[%parallel_loop3A_522, %parallel_loop3A_523, %parallel_loop3A_524] {strides = array<i32>} : memref<128x1x128xf32, #tpu.memory_space<vmem>>, vector<1x1x16xf32>,
      %parallel_loop3A_526 = vector.shape_cast %parallel_loop3A_525 : vector<1x1x16xf32> to vector<16xf32>
      %parallel_loop3A_527 = vector.shape_cast %get3A_135 : vector<16xf32> to vector<1x1x16xf32>
      tpu.vector_store %arg12[%parallel_loop3A_522, %parallel_loop3A_523, %parallel_loop3A_524], %parallel_loop3A_527 {add = true, strides = array<i32>} : memref<128x1x128xf32, #tpu.memory_space<vmem>>, vector<1x1x16xf32>,
    } {sc.loop_unroll_factor = 1 : i64, sc.parallel_access}
    %dma_start3A_345 = arith.constant 72 : i32
    %dma_start3A_346 = arith.constant 0 : i32
    %dma_start3A_347 = arith.constant 0 : i32
    %dma_start3A_348 = tpu.memref_slice %arg12[%dma_start3A_345, %dma_start3A_346, %dma_start3A_347] : memref<128x1x128xf32, #tpu.memory_space<vmem>> -> memref<56x1x128xf32, #tpu.memory_space<vmem>>
    %dma_start3A_349 = arith.constant 1 : i32
    %dma_start3A_350 = arith.constant 0 : i32
    %dma_start3A_351 = tpu.memref_slice %arg8[%add3A_304, %dma_start3A_349, %dma_start3A_350] : memref<4096x2x128xf32, #tpu.memory_space<hbm>> -> memref<56x1x128xf32, #tpu.memory_space<hbm>>
    %dma_start3A_352 = arith.constant 1 : i32
    %dma_start3A_353 = arith.constant 0 : i32
    %dma_start3A_354 = tpu.memref_slice %arg8[%add3A_304, %dma_start3A_352, %dma_start3A_353] : memref<4096x2x128xf32, #tpu.memory_space<hbm>> -> memref<56x1x128xf32, #tpu.memory_space<hbm>>
    %dma_start3A_355 = arith.constant 72 : i32
    %dma_start3A_356 = arith.constant 0 : i32
    %dma_start3A_357 = arith.constant 0 : i32
    %dma_start3A_358 = tpu.memref_slice %arg12[%dma_start3A_355, %dma_start3A_356, %dma_start3A_357] : memref<128x1x128xf32, #tpu.memory_space<vmem>> -> memref<56x1x128xf32, #tpu.memory_space<vmem>>
    tpu.enqueue_dma source(%dma_start3A_358 : memref<56x1x128xf32, #tpu.memory_space<vmem>>) target(%dma_start3A_354 : memref<56x1x128xf32, #tpu.memory_space<hbm>>) target_semaphore(%arg30 : memref<!tpu.dma_semaphore, #tpu.memory_space<semaphore_mem>>)
    %dma_wait3A_359 = arith.constant 0 : i32
    %dma_wait3A_360 = arith.constant 0 : i32
    %dma_wait3A_361 = arith.constant 0 : i32
    %dma_wait3A_362 = tpu.memref_slice %arg11[%dma_wait3A_359, %dma_wait3A_360, %dma_wait3A_361] : memref<128x1x128xf32, #tpu.memory_space<vmem>> -> memref<8x1x128xf32, #tpu.memory_space<vmem>>
    %dma_wait3A_363 = arith.constant 0 : i32
    %dma_wait3A_364 = arith.constant 0 : i32
    %dma_wait3A_365 = tpu.memref_slice %arg8[%add3A_137, %dma_wait3A_363, %dma_wait3A_364] : memref<4096x2x128xf32, #tpu.memory_space<hbm>> -> memref<8x1x128xf32, #tpu.memory_space<hbm>>
    %dma_wait3A_366 = arith.constant 0 : i32
    %dma_wait3A_367 = arith.constant 0 : i32
    %dma_wait3A_368 = tpu.memref_slice %arg8[%add3A_137, %dma_wait3A_366, %dma_wait3A_367] : memref<4096x2x128xf32, #tpu.memory_space<hbm>> -> memref<8x1x128xf32, #tpu.memory_space<hbm>>
    %dma_wait3A_369 = arith.constant 0 : i32
    %dma_wait3A_370 = arith.constant 0 : i32
    %dma_wait3A_371 = arith.constant 0 : i32
    %dma_wait3A_372 = tpu.memref_slice %arg11[%dma_wait3A_369, %dma_wait3A_370, %dma_wait3A_371] : memref<128x1x128xf32, #tpu.memory_space<vmem>> -> memref<8x1x128xf32, #tpu.memory_space<vmem>>
    tpu.wait_dma2 semaphore(%arg23 : memref<!tpu.dma_semaphore, #tpu.memory_space<semaphore_mem>>) src(%dma_wait3A_372 : memref<8x1x128xf32, #tpu.memory_space<vmem>>) dst(%dma_wait3A_368 : memref<8x1x128xf32, #tpu.memory_space<hbm>>)
    %dma_wait3A_373 = arith.constant 0 : i32
    %dma_wait3A_374 = arith.constant 0 : i32
    %dma_wait3A_375 = arith.constant 0 : i32
    %dma_wait3A_376 = tpu.memref_slice %arg12[%dma_wait3A_373, %dma_wait3A_374, %dma_wait3A_375] : memref<128x1x128xf32, #tpu.memory_space<vmem>> -> memref<8x1x128xf32, #tpu.memory_space<vmem>>
    %dma_wait3A_377 = arith.constant 1 : i32
    %dma_wait3A_378 = arith.constant 0 : i32
    %dma_wait3A_379 = tpu.memref_slice %arg8[%add3A_137, %dma_wait3A_377, %dma_wait3A_378] : memref<4096x2x128xf32, #tpu.memory_space<hbm>> -> memref<8x1x128xf32, #tpu.memory_space<hbm>>
    %dma_wait3A_380 = arith.constant 1 : i32
    %dma_wait3A_381 = arith.constant 0 : i32
    %dma_wait3A_382 = tpu.memref_slice %arg8[%add3A_137, %dma_wait3A_380, %dma_wait3A_381] : memref<4096x2x128xf32, #tpu.memory_space<hbm>> -> memref<8x1x128xf32, #tpu.memory_space<hbm>>
    %dma_wait3A_383 = arith.constant 0 : i32
    %dma_wait3A_384 = arith.constant 0 : i32
    %dma_wait3A_385 = arith.constant 0 : i32
    %dma_wait3A_386 = tpu.memref_slice %arg12[%dma_wait3A_383, %dma_wait3A_384, %dma_wait3A_385] : memref<128x1x128xf32, #tpu.memory_space<vmem>> -> memref<8x1x128xf32, #tpu.memory_space<vmem>>
    tpu.wait_dma2 semaphore(%arg27 : memref<!tpu.dma_semaphore, #tpu.memory_space<semaphore_mem>>) src(%dma_wait3A_386 : memref<8x1x128xf32, #tpu.memory_space<vmem>>) dst(%dma_wait3A_382 : memref<8x1x128xf32, #tpu.memory_space<hbm>>)
    %dma_wait3A_387 = arith.constant 8 : i32
    %dma_wait3A_388 = arith.constant 0 : i32
    %dma_wait3A_389 = arith.constant 0 : i32
    %dma_wait3A_390 = tpu.memref_slice %arg11[%dma_wait3A_387, %dma_wait3A_388, %dma_wait3A_389] : memref<128x1x128xf32, #tpu.memory_space<vmem>> -> memref<24x1x128xf32, #tpu.memory_space<vmem>>
    %dma_wait3A_391 = arith.constant 0 : i32
    %dma_wait3A_392 = arith.constant 0 : i32
    %dma_wait3A_393 = tpu.memref_slice %arg8[%add3A_192, %dma_wait3A_391, %dma_wait3A_392] : memref<4096x2x128xf32, #tpu.memory_space<hbm>> -> memref<24x1x128xf32, #tpu.memory_space<hbm>>
    %dma_wait3A_394 = arith.constant 0 : i32
    %dma_wait3A_395 = arith.constant 0 : i32
    %dma_wait3A_396 = tpu.memref_slice %arg8[%add3A_192, %dma_wait3A_394, %dma_wait3A_395] : memref<4096x2x128xf32, #tpu.memory_space<hbm>> -> memref<24x1x128xf32, #tpu.memory_space<hbm>>
    %dma_wait3A_397 = arith.constant 8 : i32
    %dma_wait3A_398 = arith.constant 0 : i32
    %dma_wait3A_399 = arith.constant 0 : i32
    %dma_wait3A_400 = tpu.memref_slice %arg11[%dma_wait3A_397, %dma_wait3A_398, %dma_wait3A_399] : memref<128x1x128xf32, #tpu.memory_space<vmem>> -> memref<24x1x128xf32, #tpu.memory_space<vmem>>
    tpu.wait_dma2 semaphore(%arg24 : memref<!tpu.dma_semaphore, #tpu.memory_space<semaphore_mem>>) src(%dma_wait3A_400 : memref<24x1x128xf32, #tpu.memory_space<vmem>>) dst(%dma_wait3A_396 : memref<24x1x128xf32, #tpu.memory_space<hbm>>)
    %dma_wait3A_401 = arith.constant 8 : i32
    %dma_wait3A_402 = arith.constant 0 : i32
    %dma_wait3A_403 = arith.constant 0 : i32
    %dma_wait3A_404 = tpu.memref_slice %arg12[%dma_wait3A_401, %dma_wait3A_402, %dma_wait3A_403] : memref<128x1x128xf32, #tpu.memory_space<vmem>> -> memref<24x1x128xf32, #tpu.memory_space<vmem>>
    %dma_wait3A_405 = arith.constant 1 : i32
    %dma_wait3A_406 = arith.constant 0 : i32
    %dma_wait3A_407 = tpu.memref_slice %arg8[%add3A_192, %dma_wait3A_405, %dma_wait3A_406] : memref<4096x2x128xf32, #tpu.memory_space<hbm>> -> memref<24x1x128xf32, #tpu.memory_space<hbm>>
    %dma_wait3A_408 = arith.constant 1 : i32
    %dma_wait3A_409 = arith.constant 0 : i32
    %dma_wait3A_410 = tpu.memref_slice %arg8[%add3A_192, %dma_wait3A_408, %dma_wait3A_409] : memref<4096x2x128xf32, #tpu.memory_space<hbm>> -> memref<24x1x128xf32, #tpu.memory_space<hbm>>
    %dma_wait3A_411 = arith.constant 8 : i32
    %dma_wait3A_412 = arith.constant 0 : i32
    %dma_wait3A_413 = arith.constant 0 : i32
    %dma_wait3A_414 = tpu.memref_slice %arg12[%dma_wait3A_411, %dma_wait3A_412, %dma_wait3A_413] : memref<128x1x128xf32, #tpu.memory_space<vmem>> -> memref<24x1x128xf32, #tpu.memory_space<vmem>>
    tpu.wait_dma2 semaphore(%arg28 : memref<!tpu.dma_semaphore, #tpu.memory_space<semaphore_mem>>) src(%dma_wait3A_414 : memref<24x1x128xf32, #tpu.memory_space<vmem>>) dst(%dma_wait3A_410 : memref<24x1x128xf32, #tpu.memory_space<hbm>>)
    %dma_wait3A_415 = arith.constant 32 : i32
    %dma_wait3A_416 = arith.constant 0 : i32
    %dma_wait3A_417 = arith.constant 0 : i32
    %dma_wait3A_418 = tpu.memref_slice %arg11[%dma_wait3A_415, %dma_wait3A_416, %dma_wait3A_417] : memref<128x1x128xf32, #tpu.memory_space<vmem>> -> memref<40x1x128xf32, #tpu.memory_space<vmem>>
    %dma_wait3A_419 = arith.constant 0 : i32
    %dma_wait3A_420 = arith.constant 0 : i32
    %dma_wait3A_421 = tpu.memref_slice %arg8[%add3A_248, %dma_wait3A_419, %dma_wait3A_420] : memref<4096x2x128xf32, #tpu.memory_space<hbm>> -> memref<40x1x128xf32, #tpu.memory_space<hbm>>
    %dma_wait3A_422 = arith.constant 0 : i32
    %dma_wait3A_423 = arith.constant 0 : i32
    %dma_wait3A_424 = tpu.memref_slice %arg8[%add3A_248, %dma_wait3A_422, %dma_wait3A_423] : memref<4096x2x128xf32, #tpu.memory_space<hbm>> -> memref<40x1x128xf32, #tpu.memory_space<hbm>>
    %dma_wait3A_425 = arith.constant 32 : i32
    %dma_wait3A_426 = arith.constant 0 : i32
    %dma_wait3A_427 = arith.constant 0 : i32
    %dma_wait3A_428 = tpu.memref_slice %arg11[%dma_wait3A_425, %dma_wait3A_426, %dma_wait3A_427] : memref<128x1x128xf32, #tpu.memory_space<vmem>> -> memref<40x1x128xf32, #tpu.memory_space<vmem>>
    tpu.wait_dma2 semaphore(%arg25 : memref<!tpu.dma_semaphore, #tpu.memory_space<semaphore_mem>>) src(%dma_wait3A_428 : memref<40x1x128xf32, #tpu.memory_space<vmem>>) dst(%dma_wait3A_424 : memref<40x1x128xf32, #tpu.memory_space<hbm>>)
    %dma_wait3A_429 = arith.constant 32 : i32
    %dma_wait3A_430 = arith.constant 0 : i32
    %dma_wait3A_431 = arith.constant 0 : i32
    %dma_wait3A_432 = tpu.memref_slice %arg12[%dma_wait3A_429, %dma_wait3A_430, %dma_wait3A_431] : memref<128x1x128xf32, #tpu.memory_space<vmem>> -> memref<40x1x128xf32, #tpu.memory_space<vmem>>
    %dma_wait3A_433 = arith.constant 1 : i32
    %dma_wait3A_434 = arith.constant 0 : i32
    %dma_wait3A_435 = tpu.memref_slice %arg8[%add3A_248, %dma_wait3A_433, %dma_wait3A_434] : memref<4096x2x128xf32, #tpu.memory_space<hbm>> -> memref<40x1x128xf32, #tpu.memory_space<hbm>>
    %dma_wait3A_436 = arith.constant 1 : i32
    %dma_wait3A_437 = arith.constant 0 : i32
    %dma_wait3A_438 = tpu.memref_slice %arg8[%add3A_248, %dma_wait3A_436, %dma_wait3A_437] : memref<4096x2x128xf32, #tpu.memory_space<hbm>> -> memref<40x1x128xf32, #tpu.memory_space<hbm>>
    %dma_wait3A_439 = arith.constant 32 : i32
    %dma_wait3A_440 = arith.constant 0 : i32
    %dma_wait3A_441 = arith.constant 0 : i32
    %dma_wait3A_442 = tpu.memref_slice %arg12[%dma_wait3A_439, %dma_wait3A_440, %dma_wait3A_441] : memref<128x1x128xf32, #tpu.memory_space<vmem>> -> memref<40x1x128xf32, #tpu.memory_space<vmem>>
    tpu.wait_dma2 semaphore(%arg29 : memref<!tpu.dma_semaphore, #tpu.memory_space<semaphore_mem>>) src(%dma_wait3A_442 : memref<40x1x128xf32, #tpu.memory_space<vmem>>) dst(%dma_wait3A_438 : memref<40x1x128xf32, #tpu.memory_space<hbm>>)
    %dma_wait3A_443 = arith.constant 72 : i32
    %dma_wait3A_444 = arith.constant 0 : i32
    %dma_wait3A_445 = arith.constant 0 : i32
    %dma_wait3A_446 = tpu.memref_slice %arg11[%dma_wait3A_443, %dma_wait3A_444, %dma_wait3A_445] : memref<128x1x128xf32, #tpu.memory_space<vmem>> -> memref<56x1x128xf32, #tpu.memory_space<vmem>>
    %dma_wait3A_447 = arith.constant 0 : i32
    %dma_wait3A_448 = arith.constant 0 : i32
    %dma_wait3A_449 = tpu.memref_slice %arg8[%add3A_304, %dma_wait3A_447, %dma_wait3A_448] : memref<4096x2x128xf32, #tpu.memory_space<hbm>> -> memref<56x1x128xf32, #tpu.memory_space<hbm>>
    %dma_wait3A_450 = arith.constant 0 : i32
    %dma_wait3A_451 = arith.constant 0 : i32
    %dma_wait3A_452 = tpu.memref_slice %arg8[%add3A_304, %dma_wait3A_450, %dma_wait3A_451] : memref<4096x2x128xf32, #tpu.memory_space<hbm>> -> memref<56x1x128xf32, #tpu.memory_space<hbm>>
    %dma_wait3A_453 = arith.constant 72 : i32
    %dma_wait3A_454 = arith.constant 0 : i32
    %dma_wait3A_455 = arith.constant 0 : i32
    %dma_wait3A_456 = tpu.memref_slice %arg11[%dma_wait3A_453, %dma_wait3A_454, %dma_wait3A_455] : memref<128x1x128xf32, #tpu.memory_space<vmem>> -> memref<56x1x128xf32, #tpu.memory_space<vmem>>
    tpu.wait_dma2 semaphore(%arg26 : memref<!tpu.dma_semaphore, #tpu.memory_space<semaphore_mem>>) src(%dma_wait3A_456 : memref<56x1x128xf32, #tpu.memory_space<vmem>>) dst(%dma_wait3A_452 : memref<56x1x128xf32, #tpu.memory_space<hbm>>)
    %dma_wait3A_457 = arith.constant 72 : i32
    %dma_wait3A_458 = arith.constant 0 : i32
    %dma_wait3A_459 = arith.constant 0 : i32
    %dma_wait3A_460 = tpu.memref_slice %arg12[%dma_wait3A_457, %dma_wait3A_458, %dma_wait3A_459] : memref<128x1x128xf32, #tpu.memory_space<vmem>> -> memref<56x1x128xf32, #tpu.memory_space<vmem>>
    %dma_wait3A_461 = arith.constant 1 : i32
    %dma_wait3A_462 = arith.constant 0 : i32
    %dma_wait3A_463 = tpu.memref_slice %arg8[%add3A_304, %dma_wait3A_461, %dma_wait3A_462] : memref<4096x2x128xf32, #tpu.memory_space<hbm>> -> memref<56x1x128xf32, #tpu.memory_space<hbm>>
    %dma_wait3A_464 = arith.constant 1 : i32
    %dma_wait3A_465 = arith.constant 0 : i32
    %dma_wait3A_466 = tpu.memref_slice %arg8[%add3A_304, %dma_wait3A_464, %dma_wait3A_465] : memref<4096x2x128xf32, #tpu.memory_space<hbm>> -> memref<56x1x128xf32, #tpu.memory_space<hbm>>
    %dma_wait3A_467 = arith.constant 72 : i32
    %dma_wait3A_468 = arith.constant 0 : i32
    %dma_wait3A_469 = arith.constant 0 : i32
    %dma_wait3A_470 = tpu.memref_slice %arg12[%dma_wait3A_467, %dma_wait3A_468, %dma_wait3A_469] : memref<128x1x128xf32, #tpu.memory_space<vmem>> -> memref<56x1x128xf32, #tpu.memory_space<vmem>>
    tpu.wait_dma2 semaphore(%arg30 : memref<!tpu.dma_semaphore, #tpu.memory_space<semaphore_mem>>) src(%dma_wait3A_470 : memref<56x1x128xf32, #tpu.memory_space<vmem>>) dst(%dma_wait3A_466 : memref<56x1x128xf32, #tpu.memory_space<hbm>>)
    return
  }
}

</mosaic_0001>

<sc_bundles>
// kernel: kernel.3.cloned.1.call-start
scs
__scs_entry_jumppad:
0x0: {  	(pc) =	sbr.rel $0x88, $3  }
0x1: {  	(tag) =	ssettag $0x0;
	lr =	simm.s32 $0x1  }
0x2: {  	[smem:$0x3F9B] =	sst lr;
	_ =	strace $0xD0000000  }
0x3: {  	_ = 	snop  }
0x4: {  	_ = 	snop  }
0x5: {  	_ = 	snop  }
0x6: {  	_ = 	snop  }
0x7: {  	_ = 	snop  }
__scs_overlays_trampoline_lowered:
0x8: {  	[smem:$0x3FAA] =	sst s0  }
0x9: {  	[smem:$0x3FAB] =	sst s1  }
0xa: {  	[smem:$0x3FAC] =	sst s2  }
0xb: {  	[smem:$0x3FAD] =	sst s3  }
0xc: {  	[smem:$0x3FAE] =	sst s4  }
0xd: {  	[smem:$0x3FAF] =	sst s5  }
0xe: {  	[smem:$0x3FB0] =	sst s6  }
0xf: {  	[smem:$0x3FB1] =	sst s7  }
0x10: {  	[smem:$0x3FB2] =	sst s8  }
0x11: {  	[smem:$0x3FB3] =	sst s9;
	s0 =	simm.s32 @!p0 $0x0  }
0x12: {  	s1 =	sld [smem:$0x3F99];
	s0 =	simm.s32 @p0 $0x1  }
0x13: {  	[smem:$0x3FB4] =	sst s0;
	s0 =	simm.s32 @!p1 $0x0  }
0x14: {  	s2 =	sld [smem:$0x3F98];
	s0 =	simm.s32 @p1 $0x1  }
0x15: {  	[smem:$0x3FB5] =	sst s0;
	s0 =	simm.s32 @!p2 $0x0  }
0x16: {  	s3 =	sld [smem:$0x3FDB];
	s0 =	simm.s32 @p2 $0x1  }
0x17: {  	s4 =	simm.s32 $0x1BF5;
	[smem:$0x3FB7] =	sst s0  }
0x18: {  	s0 =	sld [smem:$0x3F9A];
	_ =	swait.ge [sflag:s4], $0x0  }
0x19: {  	s7 =	sld [smem:$0x3F9B]  }
0x1a: {  	s8 =	sadd.s32 $0xFFFFE003, lr  }
0x1b: {  	s9 =	sadd.s32 $0xFFFFFEF7, lr;
	s5 =	simm.s32 $0xFFFFFFFF;
	p2 =	slt.u32 s8, $0xFFFFF086  }
0x1c: {  	p1 =	slt.u32 s9, $0xF7A;
	s5 =	simm.s32 @!p2 $0x0  }
0x1d: {  	s5 =	simm.s32 @p1 $0x1;
	p0 =	seq.s32 s7, s2  }
0x1e: {  	s7 =	smul.u32 @!p0 $0xF7A, s2;
	p2 =	seq.s32 @!p0 s5, $0x0  }
0x1f: {  	s9 =	smul.u32 $0xF7A, s1;
	s8 =	simm.s32 @!p0 $0x1BF5;
	p2 =	por !p2, p0  }
0x20: {  	[sflag:s8] =	ssyncset.s32 @!p0 $0xFFFFF086;
	s6 =	sadd.s32 @!p0 s3, s7;
	s7 =	simm.s32 @!p0 $0x108  }
0x21: {  	s3 =	sadd.s32 s3, s9;
	s6 =	sadd.s32 @!p0 $0x88, s6;
	s7 =	simm.s32 @p2 $0x1082  }
0x22: {  	[simem:s7], [sflag:s8] =	dma.local @!p0 [hbm:s6], $0xF7A  }
0x23: {  	s9 =	sor.u32 $0xD0000000, s2;
	s6 =	simm.s32 $0x108;
	_ =	swait.ge @!p0 [sflag:s8], $0x0  }
0x24: {  	s3 =	sadd.s32 $0x88, s3;
	s6 =	simm.s32 @!p1 $0x1082;
	[sflag:s4] =	ssyncset.s32 $0xFFFFF086  }
0x25: {  	[simem:s6], [sflag:s4] =	dma.local [hbm:s3], $0xF7A  }
0x26: {  	[smem:$0x3F9B] =	sst s1;
	(tag) =	ssettag s2;
	_ =	strace s9  }
0x27: {  	s1 =	sld [smem:$0x3FAB]  }
0x28: {  	s2 =	sld [smem:$0x3FAC]  }
0x29: {  	s4 =	sld [smem:$0x3FAE]  }
0x2a: {  	p0 =	seq.s32 s5, $0x0;
	s5 =	sld [smem:$0x3FAF]  }
0x2b: {  	s6 =	sld [smem:$0x3FB0]  }
0x2c: {  	s7 =	sld [smem:$0x3FB1]  }
0x2d: {  	s3 =	simm.s32 $0x108;
	s8 =	sld [smem:$0x3FB2]  }
0x2e: {  	s3 =	simm.s32 @!p0 $0x1082;
	s9 =	sld [smem:$0x3FB3]  }
0x2f: {  	lr =	sadd.s32 s0, s3;
	s0 =	sld [smem:$0x3FAA]  }
0x30: {  	s3 =	sld [smem:$0x3FAD]  }
0x31: {  	[smem:$0x3FB6] =	sst s10  }
0x32: {  	s10 =	sld [smem:$0x3FB4];
	_ =	sdelay $0x3  }
0x33: {  	p0 =	seq.s32 s10, $0x1;
	s10 =	sld [smem:$0x3FB6];
	_ =	sdelay $0x3  }
0x34: {  	[smem:$0x3FB6] =	sst s10  }
0x35: {  	s10 =	sld [smem:$0x3FB5];
	_ =	sdelay $0x3  }
0x36: {  	p1 =	seq.s32 s10, $0x1;
	s10 =	sld [smem:$0x3FB6];
	_ =	sdelay $0x3  }
0x37: {  	[smem:$0x3FB6] =	sst s10  }
0x38: {  	s10 =	sld [smem:$0x3FB7]  }
0x39: {  	_ = 	snop;
	(pc) =	sbr.ind lr, $3  }
0x3a: {  	_ = 	snop  }
0x3b: {  	_ = 	snop  }
0x3c: {  	p2 =	seq.s32 s10, $0x1;
	s10 =	sld [smem:$0x3FB6]  }
0x3d: {  	_ =	shalt  }
0x3e: {  	_ =	shalt  }
0x3f: {  	_ =	shalt  }
0x40: {  	_ =	shalt  }
0x41: {  	_ =	shalt  }
0x42: {  	_ =	shalt  }
0x43: {  	_ =	shalt  }
0x44: {  	_ =	shalt  }
0x45: {  	_ =	shalt  }
0x46: {  	_ =	shalt  }
0x47: {  	_ =	shalt  }
0x48: {  	_ =	shalt  }
0x49: {  	_ =	shalt  }
0x4a: {  	_ =	shalt  }
0x4b: {  	_ =	shalt  }
0x4c: {  	_ =	shalt  }
0x4d: {  	_ =	shalt  }
0x4e: {  	_ =	shalt  }
0x4f: {  	_ =	shalt  }
0x50: {  	_ =	shalt  }
0x51: {  	_ =	shalt  }
0x52: {  	_ =	shalt  }
0x53: {  	_ =	shalt  }
0x54: {  	_ =	shalt  }
0x55: {  	_ =	shalt  }
0x56: {  	_ =	shalt  }
0x57: {  	_ =	shalt  }
0x58: {  	_ =	shalt  }
0x59: {  	_ =	shalt  }
0x5a: {  	_ =	shalt  }
0x5b: {  	_ =	shalt  }
0x5c: {  	_ =	shalt  }
0x5d: {  	_ =	shalt  }
0x5e: {  	_ =	shalt  }
0x5f: {  	_ =	shalt  }
0x60: {  	_ =	shalt  }
0x61: {  	_ =	shalt  }
0x62: {  	_ =	shalt  }
0x63: {  	_ =	shalt  }
0x64: {  	_ =	shalt  }
0x65: {  	_ =	shalt  }
0x66: {  	_ =	shalt  }
0x67: {  	_ =	shalt  }
0x68: {  	_ =	shalt  }
0x69: {  	_ =	shalt  }
0x6a: {  	_ =	shalt  }
0x6b: {  	_ =	shalt  }
0x6c: {  	_ =	shalt  }
0x6d: {  	_ =	shalt  }
0x6e: {  	_ =	shalt  }
0x6f: {  	_ =	shalt  }
0x70: {  	_ =	shalt  }
0x71: {  	_ =	shalt  }
0x72: {  	_ =	shalt  }
0x73: {  	_ =	shalt  }
0x74: {  	_ =	shalt  }
0x75: {  	_ =	shalt  }
0x76: {  	_ =	shalt  }
0x77: {  	_ =	shalt  }
0x78: {  	_ =	shalt  }
0x79: {  	_ =	shalt  }
0x7a: {  	_ =	shalt  }
0x7b: {  	_ =	shalt  }
0x7c: {  	_ =	shalt  }
0x7d: {  	_ =	shalt  }
0x7e: {  	_ =	shalt  }
0x7f: {  	_ =	shalt  }
0x80: {  	_ =	shalt  }
0x81: {  	_ =	shalt  }
0x82: {  	_ =	shalt  }
0x83: {  	_ =	shalt  }
0x84: {  	_ =	shalt  }
0x85: {  	_ =	shalt  }
0x86: {  	_ =	shalt  }
0x87: {  	_ =	shalt  }
.Lfunc_end0:
.L_simem_size_0:
called_computation_lowered:
.L_overlay_start_0:
0x88: {  	s2 =	sld [smem:$0x3FD9]  }
0x89: {  	s3 =	sld [smem:$0x3FFE];
	_ =	sdelay $0x1  }
0x8a: {  	s1 =	srdreg.scid  }
0x8b: {  	s0 =	sand.u32 $0x1, s1  }
0x8c: {  	s18 =	sshll.u32 s0, $0xA;
	s2 =	sadd.s32 s3, s2  }
0x8d: {  	s2 =	sadd.s32 s2, s18  }
0x8e: {  	[smem:$0x3FC2] =	sst s2  }
0x8f: {  	_ = 	snop  }
0x90: {  	s2 =	sld [smem:$0x3FC9]  }
0x91: {  	s19 =	sld [smem:$0x3FC8]  }
0x92: {  	s4 =	sld [smem:$0x3FC7]  }
0x93: {  	s5 =	sld [smem:$0x3FC6]  }
0x94: {  	s6 =	sld [smem:$0x3FC5]  }
0x95: {  	s7 =	sld [smem:$0x3FC4]  }
0x96: {  	s8 =	sld [smem:$0x3FD0];
	(tm) =	ssettm $0x1  }
0x97: {  	s9 =	sld [smem:$0x3FFB];
	_ =	sdelay $0x3  }
0x98: {  	_ =	strace s9  }
0x99: {  	s9 =	sld [smem:$0x3FFC];
	_ =	sdelay $0x3  }
0x9a: {  	_ =	strace s9  }
0x9b: {  	s9 =	sld [smem:$0x3FFD];
	_ =	sdelay $0x3  }
0x9c: {  	_ =	strace s9  }
0x9d: {  	_ =	strace $0x8FFFFFFF  }
0x9e: {  	s20 =	sld [smem:$0x3FDB];
	_ =	sdelay $0x1  }
0x9f: {  	s10 =	simm.s32 $_scs_section_size  }
0xa0: {  	s11 =	simm.s32 $_size__tile_overlayer_lowered;
	s12 =	simm.s32 $_tile_overlayer_lowered  }
0xa1: {  	s23 =	simm.s32 $0x1BFF;
	s22 =	sshll.u32 s12, $0x1;
	s9 =	sadd.s32 s10, s20  }
0xa2: {  	s13 =	simm.s32 $0x0;
	s21 =	sshll.u32 s11, $0x1;
	s11 =	sadd.s32 s22, s9  }
0xa3: {  	[timem:s13], [sflag:s23] =	dma.local [hbm:s11], s21  }
0xa4: {  	_ =	swait.ge [sflag:s23], s21  }
0xa5: {  	s10 =	ssub.s32 $0x0, s21;
	[sflag:s23] =	ssyncset.done $0x0  }
0xa6: {  	[sflag:s23] =	ssyncadd.s32 s10;
	_ =	sdelay $0x1  }
0xa7: {  	s24 =	simm.s32 $0x1B8B  }
0xa8: {  	_ =	swait.ge [sflag:s24], $0x1  }
0xa9: {  	[sflag:s24] =	ssyncset.done $0x0  }
0xaa: {  	s25 =	simm.s32 $0x1B8E;
	[sflag:s24] =	ssyncadd.s32 $0xFFFFFFFF  }
0xab: {  	s26 =	simm.s32 $execute0_lowered;
	[smem:$0x3FD2] =	sst s25  }
0xac: {  	s10 =	sshll.u32 s26, $0x1;
	_ =	strace $0x80000046;
	[dreg:$0x1] =	wrdreg $0xFFFFFFFF  }
0xad: {  	s28 =	simm.s32 $_size_execute0_lowered;
	s9 =	sadd.s32 s9, s10;
	[dreg:$0x0] =	wrdreg $0x0  }
0xae: {  	s10 =	sshll.u32 s28, $0x1;
	[dreg:$0x2] =	wrdreg s9  }
0xaf: {  	[dreg:$0x3] =	wrdreg s10  }
0xb0: {  	[dreg:$0x4] =	wrdreg $0xC0  }
0xb1: {  	_ =	task [dreg:s13], $0x5FFFF  }
0xb2: {  	[dreg:$0x1] =	wrdreg $0xFFFFFFFF  }
0xb3: {  	[dreg:$0x0] =	wrdreg $0x60  }
0xb4: {  	[dreg:$0x2] =	wrdreg s2  }
0xb5: {  	[dreg:$0x3] =	wrdreg s19  }
0xb6: {  	[dreg:$0x4] =	wrdreg s4  }
0xb7: {  	[dreg:$0x5] =	wrdreg s5  }
0xb8: {  	[dreg:$0x6] =	wrdreg s6  }
0xb9: {  	[dreg:$0x7] =	wrdreg s7  }
0xba: {  	[dreg:$0x8] =	wrdreg s8  }
0xbb: {  	[dreg:$0x9] =	wrdreg $0x9  }
0xbc: {  	_ =	task.clear_ibuf [dreg:s13], $0xAFFFF;
	_ =	strace $0x90000046  }
0xbd: {  	s29 =	simm.s32 $0x9;
	_ =	strace $0x80000048  }
0xbe: {  	_ =	swait.ge [sflag:s29], $0x1  }
0xbf: {  	[sflag:s29] =	ssyncadd.s32 $0xFFFFFFFF  }
0xc0: {  	_ =	strace $0x90000048  }
0xc1: {  	_ =	sfence  }
0xc2: {  	s30 =	sld [smem:$0x0];
	_ =	sdelay $0x2  }
0xc3: {  	s31 =	sshll.u32 s1, $0xD;
	s1 =	sshrl.u32 s1, $0x2  }
0xc4: {  	s3 =	sand.u32 $0x4000, s31;
	s1 =	sadd.s32 s1, s30  }
0xc5: {  	s0 =	sor.u32 s3, s0;
	s1 =	sshll.u32 s1, $0x11  }
0xc6: {  	s0 =	sor.u32 s1, s0  }
0xc7: {  	s0 =	sadd.s32 $0x8F2B, s0  }
0xc8: {  	[sflag:s0] =	ssyncadd.remote.s32 $0x1  }
0xc9: {  	_ =	sfence.sel $0xFFFF  }
0xca: {  	[dreg:$0x0] =	wrdreg $0xFFFFFFFF;
	(pc) =	sbr.abs _section_cstart, $3  }
0xcb: {  	[dreg:$0x1] =	wrdreg $0xFFFFFFFF  }
0xcc: {  	_ =	task.clear_ibuf [dreg:s13], $0x2FFFF;
	_ =	strace $0x9FFFFFFF  }
0xcd: {  	(tm) =	ssettm $0x7FFFFFFF  }
tec
execute0_lowered:
.L_overlay_start_1:
0x0: {  	(tag) =	ssettag $0x1  }
0x1: {  	s0 =	rddreg [dreg:$0x0]  }
0x2: {  	s3 =	rddreg [dreg:$0x1]  }
0x3: {  	s1 =	rddreg [dreg:$0x2]  }
0x4: {  	s2 =	rddreg [dreg:$0x3]  }
0x5: {  	s4 =	rddreg [dreg:$0x6]  }
0x6: {  	s6 =	simm.s32 $0x0;
	s5 =	srdreg.scid;
	s7 =	stileid.u32  }
0x7: {  	s10 =	simm.s32 $0x6;
	s11 =	simm.s32 $0x3;
	s12 =	simm.s32 $0x7  }
0x8: {  	s13 =	simm.s32 $0x4;
	s14 =	simm.s32 $0x9;
	s15 =	simm.s32 $0xD  }
0x9: {  	s16 =	simm.s32 $0xA;
	s5 =	sand.u32 $0x1, s5;
	s7 =	sshll.u32 s7, $0x1  }
0xa: {  	[smem:$0x7FF] =	sst s6;
	s8 =	ssub.s32 $0x2, s5;
	s5 =	sor.u32 s5, s7  }
0xb: {  	_ =	strace $0x80000047;
	s18 =	sshrl.u32 s8, $0x1;
	s9 =	sshll.u32 s5, $0x4  }
0xc: {  	s5 =	sshll.u32 s5, $0xC;
	s7 =	ssub.s32 s8, s18;
	s0 =	sadd.s32 s0, s9  }
0xd: {  	s8 =	sadd.s32 s4, s5;
	s19 =	sadd.s32 s3, s9;
	[dreg:$0x8] =	wrdreg s0  }
0xe: {  	s17 =	simm.s32 $0xE;
	[dreg:$0x9] =	wrdreg s19;
	s20 =	sadd.s32 $0x10, s8  }
0xf: {  	s28 =	simm.s32 $0xC;
	s21 =	sadd.s32 $0x100, s8;
	[dreg:$0xa] =	wrdreg s20  }
0x10: {  	s30 =	simm.s32 $0x10;
	s22 =	sadd.s32 $0x110, s8;
	[dreg:$0xb] =	wrdreg s21  }
0x11: {  	s31 =	simm.s32 $0x0;
	s23 =	sadd.s32 $0x400, s8;
	[dreg:$0xc] =	wrdreg s22  }
0x12: {  	s3 =	simm.s32 $0x6500;
	s24 =	sadd.s32 $0x410, s8;
	[dreg:$0xd] =	wrdreg s23  }
0x13: {  	s9 =	simm.s32 $0x2;
	s25 =	sadd.s32 $0x900, s8;
	[dreg:$0xe] =	wrdreg s24  }
0x14: {  	s26 =	sadd.s32 $0x910, s8;
	s29 =	smax.u32 s7, $0x1;
	[dreg:$0xf] =	wrdreg s25  }
0x15: {  	s19 =	simm.s32 $0x11;
	s0 =	simm.s32 $0x1;
	[dreg:$0x10] =	wrdreg s26  }
0x16: {  	s7 =	simm.s32 $0x5;
	[dreg:$0x11] =	wrdreg s29;
	s20 =	simm.s32 $0x80  }
0x17: {  	s21 =	simm.s32 $0x12;
	s22 =	simm.s32 $0x13;
	s23 =	simm.s32 $0x8  }
0x18: {  	s24 =	simm.s32 $0x100;
	s25 =	simm.s32 $0xB;
	s26 =	simm.s32 $0xF  }
.LBB2_1:
0x19: {  	s4 =	rddreg [dreg:$0x4];
	s5 =	simm.s32 $0x8100  }
0x1a: {  	[tilespmem:s5], [sflag:$0x11] =	stream.linear.gather [hbm4b:s4+s6], $0x80, $0x38;
	[tilespmem:$0x8200] =	vst v63  }
0x1b: {  	s18 =	rddreg [dreg:$0x5];
	s29 =	simm.s32 $0x8180  }
0x1c: {  	[tilespmem:s29], [sflag:$0x11] =	stream.linear.gather [hbm4b:s18+s6], $0x80, $0x38;
	[tilespmem:$0x8200] =	vst v63  }
0x1d: {  	s18 =	rddreg [dreg:$0x8]  }
0x1e: {  	[tilespmem:s6], [sflag:$0x12] =	stream.linear.gather [hbm4b:s18+s6], $0x80, $0x38;
	[tilespmem:$0x8200] =	vst v63  }
0x1f: {  	s29 =	rddreg [dreg:$0x9]  }
0x20: {  	[tilespmem:s20], [sflag:$0x13] =	stream.linear.gather [hbm4b:s29+s6], $0x80, $0x38;
	[tilespmem:$0x8200] =	vst v63  }
0x21: {  	_ =	swait.ge [sflag:s21], $0x80  }
0x22: {  	[sflag:s21] =	ssyncset.done $0x0  }
0x23: {  	[sflag:s21] =	ssyncadd.s32 $0xFFFFFF80  }
0x24: {  	_ =	swait.ge [sflag:s22], $0x80  }
0x25: {  	[sflag:s22] =	ssyncset.done $0x0  }
0x26: {  	[sflag:s22] =	ssyncadd.s32 $0xFFFFFF80  }
0x27: {  	[tilespmem:s24], [sflag:$0x1] =	stream.indirect.gather [hbm4b:s1+s23], $0x80, s6, s23, $0xb8;
	[tilespmem:$0x8200] =	vst v63  }
0x28: {  	s5 =	simm.s32 $0x4100  }
0x29: {  	[tilespmem:s5], [sflag:$0x5] =	stream.indirect.gather [hbm4b:s2+s23], $0x80, s20, s23, $0xb8;
	[tilespmem:$0x8200] =	vst v63  }
0x2a: {  	s4 =	simm.s32 $0x18;
	s18 =	simm.s32 $0x500  }
0x2b: {  	[tilespmem:s18], [sflag:$0x2] =	stream.indirect.gather [hbm4b:s1+s4], $0x80, s23, s4, $0xb8;
	[tilespmem:$0x8200] =	vst v63  }
0x2c: {  	s29 =	simm.s32 $0x88;
	s18 =	simm.s32 $0x4500  }
0x2d: {  	[tilespmem:s18], [sflag:$0x6] =	stream.indirect.gather [hbm4b:s2+s4], $0x80, s29, s4, $0xb8;
	[tilespmem:$0x8200] =	vst v63  }
0x2e: {  	s18 =	simm.s32 $0x1100;
	s4 =	simm.s32 $0x28;
	s29 =	simm.s32 $0x20  }
0x2f: {  	[tilespmem:s18], [sflag:$0x3] =	stream.indirect.gather [hbm4b:s1+s4], $0x80, s29, s4, $0xb8;
	[tilespmem:$0x8200] =	vst v63  }
0x30: {  	s5 =	simm.s32 $0xA0;
	s29 =	simm.s32 $0x5100  }
0x31: {  	[tilespmem:s29], [sflag:$0x7] =	stream.indirect.gather [hbm4b:s2+s4], $0x80, s5, s4, $0xb8;
	[tilespmem:$0x8200] =	vst v63  }
0x32: {  	s4 =	simm.s32 $0x38;
	s5 =	simm.s32 $0x48;
	s29 =	simm.s32 $0x2500  }
0x33: {  	[tilespmem:s29], [sflag:$0x4] =	stream.indirect.gather [hbm4b:s1+s4], $0x80, s5, s4, $0xb8;
	[tilespmem:$0x8200] =	vst v63  }
0x34: {  	s29 =	simm.s32 $0xC8  }
0x35: {  	[tilespmem:s3], [sflag:$0x8] =	stream.indirect.gather [hbm4b:s2+s4], $0x80, s29, s4, $0xb8;
	[tilespmem:$0x8200] =	vst v63  }
0x36: {  	_ =	swait.ge [sflag:s19], $0x80  }
0x37: {  	[sflag:s19] =	ssyncset.done $0x0  }
0x38: {  	[sflag:s19] =	ssyncadd.s32 $0xFFFFFF80  }
0x39: {  	_ =	swait.ge [sflag:s19], $0x80  }
0x3a: {  	[sflag:s19] =	ssyncset.done $0x0  }
0x3b: {  	[sflag:s19] =	ssyncadd.s32 $0xFFFFFF80  }
0x3c: {  	v8 =	vld [tilespmem:$0x8100]  }
0x3d: {  	v9 =	vld [tilespmem:$0x8110]  }
0x3e: {  	v10 =	vld [tilespmem:$0x8120]  }
0x3f: {  	v11 =	vld [tilespmem:$0x8130]  }
0x40: {  	v12 =	vld [tilespmem:$0x8140]  }
0x41: {  	v13 =	vld [tilespmem:$0x8150]  }
0x42: {  	v14 =	vld [tilespmem:$0x8160]  }
0x43: {  	v15 =	vld [tilespmem:$0x8170]  }
0x44: {  	v0 =	vld [tilespmem:$0x8180]  }
0x45: {  	v1 =	vld [tilespmem:$0x8190]  }
0x46: {  	v2 =	vld [tilespmem:$0x81A0]  }
0x47: {  	v3 =	vld [tilespmem:$0x81B0]  }
0x48: {  	v4 =	vld [tilespmem:$0x81C0]  }
0x49: {  	v7 =	vld [tilespmem:$0x81F0]  }
0x4a: {  	v5 =	vld [tilespmem:$0x81D0]  }
0x4b: {  	v6 =	vld [tilespmem:$0x81E0];
	_ =	swait.ge [sflag:s0], $0x400  }
0x4c: {  	[sflag:s0] =	ssyncset.done $0x0  }
0x4d: {  	s5 =	simm.s32 $0x0;
	s4 =	simm.s32 $0x200;
	[sflag:s0] =	ssyncadd.s32 $0xFFFFFC00  }
.LBB2_2:
0x4e: {  	p0 =	sne.s32 s4, $0xE00;
	[tilespmem:s5+$0x170] =	vst.add.f32.msk $0xffff, v15  }
0x4f: {  	[tilespmem:s5+$0x100] =	vst.add.f32.msk $0xffff, v8  }
0x50: {  	[tilespmem:s5+$0x110] =	vst.add.f32.msk $0xffff, v9  }
.Ltmp0:
0x51: {  	[tilespmem:s5+$0x120] =	vst.add.f32.msk $0xffff, v10;
	(pc) =	sbr.rel @p0 .LBB2_2-.Ltmp0, $4  }
0x52: {  	[tilespmem:s5+$0x130] =	vst.add.f32.msk $0xffff, v11  }
0x53: {  	[tilespmem:s5+$0x140] =	vst.add.f32.msk $0xffff, v12  }
0x54: {  	[tilespmem:s5+$0x150] =	vst.add.f32.msk $0xffff, v13  }
0x55: {  	[tilespmem:s5+$0x160] =	vst.add.f32.msk $0xffff, v14;
	s5 =	sshra.s32 s4, $0x2;
	s4 =	sadd.s32 $0x200, s4  }
0x56: {  	[tilespmem:s5+$0x170] =	vst.add.f32.msk $0xffff, v15  }
0x57: {  	[tilespmem:s5+$0x100] =	vst.add.f32.msk $0xffff, v8  }
0x58: {  	[tilespmem:s5+$0x110] =	vst.add.f32.msk $0xffff, v9  }
0x59: {  	[tilespmem:s5+$0x120] =	vst.add.f32.msk $0xffff, v10  }
0x5a: {  	[tilespmem:s5+$0x130] =	vst.add.f32.msk $0xffff, v11  }
0x5b: {  	[tilespmem:s5+$0x140] =	vst.add.f32.msk $0xffff, v12  }
0x5c: {  	[tilespmem:s5+$0x150] =	vst.add.f32.msk $0xffff, v13  }
0x5d: {  	[tilespmem:s5+$0x160] =	vst.add.f32.msk $0xffff, v14  }
0x5e: {  	[hbm4b:s8+s20] =	stream.strided.scatter [tilespmem:s24], [sflag:$0x9], $0x400, s24, s20, $0x38;
	[tilespmem:$0x8200] =	vst v63  }
0x5f: {  	_ =	swait.ge [sflag:s7], $0x400  }
0x60: {  	[sflag:s7] =	ssyncset.done $0x0  }
0x61: {  	s5 =	simm.s32 $0x0;
	s4 =	simm.s32 $0x200;
	[sflag:s7] =	ssyncadd.s32 $0xFFFFFC00  }
.LBB2_4:
0x62: {  	p0 =	sne.s32 s4, $0xE00;
	[tilespmem:s5+$0x4170] =	vst.add.f32.msk $0xffff, v7  }
0x63: {  	[tilespmem:s5+$0x4100] =	vst.add.f32.msk $0xffff, v0  }
0x64: {  	[tilespmem:s5+$0x4110] =	vst.add.f32.msk $0xffff, v1  }
.Ltmp1:
0x65: {  	[tilespmem:s5+$0x4120] =	vst.add.f32.msk $0xffff, v2;
	(pc) =	sbr.rel @p0 .LBB2_4-.Ltmp1, $4  }
0x66: {  	[tilespmem:s5+$0x4130] =	vst.add.f32.msk $0xffff, v3  }
0x67: {  	[tilespmem:s5+$0x4140] =	vst.add.f32.msk $0xffff, v4  }
0x68: {  	[tilespmem:s5+$0x4150] =	vst.add.f32.msk $0xffff, v5  }
0x69: {  	[tilespmem:s5+$0x4160] =	vst.add.f32.msk $0xffff, v6;
	s5 =	sshra.s32 s4, $0x2;
	s4 =	sadd.s32 $0x200, s4  }
0x6a: {  	[tilespmem:s5+$0x4170] =	vst.add.f32.msk $0xffff, v7  }
0x6b: {  	[tilespmem:s5+$0x4100] =	vst.add.f32.msk $0xffff, v0  }
0x6c: {  	[tilespmem:s5+$0x4110] =	vst.add.f32.msk $0xffff, v1  }
0x6d: {  	[tilespmem:s5+$0x4120] =	vst.add.f32.msk $0xffff, v2  }
0x6e: {  	[tilespmem:s5+$0x4130] =	vst.add.f32.msk $0xffff, v3  }
0x6f: {  	[tilespmem:s5+$0x4140] =	vst.add.f32.msk $0xffff, v4  }
0x70: {  	[tilespmem:s5+$0x4150] =	vst.add.f32.msk $0xffff, v5  }
0x71: {  	[tilespmem:s5+$0x4160] =	vst.add.f32.msk $0xffff, v6  }
0x72: {  	s29 =	simm.s32 $0x4100;
	s4 =	rddreg [dreg:$0xa]  }
0x73: {  	[hbm4b:s4+s20] =	stream.strided.scatter [tilespmem:s29], [sflag:$0xD], $0x400, s24, s20, $0x38;
	[tilespmem:$0x8200] =	vst v63  }
0x74: {  	_ =	swait.ge [sflag:s9], $0xC00  }
0x75: {  	[sflag:s9] =	ssyncset.done $0x0  }
0x76: {  	s5 =	simm.s32 $0x0;
	s4 =	simm.s32 $0x200;
	[sflag:s9] =	ssyncadd.s32 $0xFFFFF400  }
.LBB2_6:
0x77: {  	p0 =	sne.s32 s4, $0x2E00;
	[tilespmem:s5+$0x570] =	vst.add.f32.msk $0xffff, v15  }
0x78: {  	[tilespmem:s5+$0x500] =	vst.add.f32.msk $0xffff, v8  }
0x79: {  	[tilespmem:s5+$0x510] =	vst.add.f32.msk $0xffff, v9  }
.Ltmp2:
0x7a: {  	[tilespmem:s5+$0x520] =	vst.add.f32.msk $0xffff, v10;
	(pc) =	sbr.rel @p0 .LBB2_6-.Ltmp2, $4  }
0x7b: {  	[tilespmem:s5+$0x530] =	vst.add.f32.msk $0xffff, v11  }
0x7c: {  	[tilespmem:s5+$0x540] =	vst.add.f32.msk $0xffff, v12  }
0x7d: {  	[tilespmem:s5+$0x550] =	vst.add.f32.msk $0xffff, v13  }
0x7e: {  	[tilespmem:s5+$0x560] =	vst.add.f32.msk $0xffff, v14;
	s5 =	sshra.s32 s4, $0x2;
	s4 =	sadd.s32 $0x200, s4  }
0x7f: {  	[tilespmem:s5+$0x570] =	vst.add.f32.msk $0xffff, v15  }
0x80: {  	[tilespmem:s5+$0x500] =	vst.add.f32.msk $0xffff, v8  }
0x81: {  	[tilespmem:s5+$0x510] =	vst.add.f32.msk $0xffff, v9  }
0x82: {  	[tilespmem:s5+$0x520] =	vst.add.f32.msk $0xffff, v10  }
0x83: {  	[tilespmem:s5+$0x530] =	vst.add.f32.msk $0xffff, v11  }
0x84: {  	[tilespmem:s5+$0x540] =	vst.add.f32.msk $0xffff, v12  }
0x85: {  	[tilespmem:s5+$0x550] =	vst.add.f32.msk $0xffff, v13  }
0x86: {  	[tilespmem:s5+$0x560] =	vst.add.f32.msk $0xffff, v14  }
0x87: {  	s29 =	simm.s32 $0x500;
	s4 =	rddreg [dreg:$0xb]  }
0x88: {  	[hbm4b:s4+s20] =	stream.strided.scatter [tilespmem:s29], [sflag:$0xA], $0xC00, s24, s20, $0x38;
	[tilespmem:$0x8200] =	vst v63  }
0x89: {  	_ =	swait.ge [sflag:s10], $0xC00  }
0x8a: {  	[sflag:s10] =	ssyncset.done $0x0  }
0x8b: {  	s5 =	simm.s32 $0x0;
	s4 =	simm.s32 $0x200;
	[sflag:s10] =	ssyncadd.s32 $0xFFFFF400  }
.LBB2_8:
0x8c: {  	p0 =	sne.s32 s4, $0x2E00;
	[tilespmem:s5+$0x4570] =	vst.add.f32.msk $0xffff, v7  }
0x8d: {  	[tilespmem:s5+$0x4500] =	vst.add.f32.msk $0xffff, v0  }
0x8e: {  	[tilespmem:s5+$0x4510] =	vst.add.f32.msk $0xffff, v1  }
.Ltmp3:
0x8f: {  	[tilespmem:s5+$0x4520] =	vst.add.f32.msk $0xffff, v2;
	(pc) =	sbr.rel @p0 .LBB2_8-.Ltmp3, $4  }
0x90: {  	[tilespmem:s5+$0x4530] =	vst.add.f32.msk $0xffff, v3  }
0x91: {  	[tilespmem:s5+$0x4540] =	vst.add.f32.msk $0xffff, v4  }
0x92: {  	[tilespmem:s5+$0x4550] =	vst.add.f32.msk $0xffff, v5  }
0x93: {  	[tilespmem:s5+$0x4560] =	vst.add.f32.msk $0xffff, v6;
	s5 =	sshra.s32 s4, $0x2;
	s4 =	sadd.s32 $0x200, s4  }
0x94: {  	[tilespmem:s5+$0x4570] =	vst.add.f32.msk $0xffff, v7  }
0x95: {  	[tilespmem:s5+$0x4500] =	vst.add.f32.msk $0xffff, v0  }
0x96: {  	[tilespmem:s5+$0x4510] =	vst.add.f32.msk $0xffff, v1  }
0x97: {  	[tilespmem:s5+$0x4520] =	vst.add.f32.msk $0xffff, v2  }
0x98: {  	[tilespmem:s5+$0x4530] =	vst.add.f32.msk $0xffff, v3  }
0x99: {  	[tilespmem:s5+$0x4540] =	vst.add.f32.msk $0xffff, v4  }
0x9a: {  	[tilespmem:s5+$0x4550] =	vst.add.f32.msk $0xffff, v5  }
0x9b: {  	[tilespmem:s5+$0x4560] =	vst.add.f32.msk $0xffff, v6  }
0x9c: {  	s29 =	simm.s32 $0x4500;
	s4 =	rddreg [dreg:$0xc]  }
0x9d: {  	[hbm4b:s4+s20] =	stream.strided.scatter [tilespmem:s29], [sflag:$0xE], $0xC00, s24, s20, $0x38;
	[tilespmem:$0x8200] =	vst v63  }
0x9e: {  	_ =	swait.ge [sflag:s11], $0x1400  }
0x9f: {  	[sflag:s11] =	ssyncset.done $0x0  }
0xa0: {  	s5 =	simm.s32 $0x0;
	s4 =	simm.s32 $0x200;
	[sflag:s11] =	ssyncadd.s32 $0xFFFFEC00  }
.LBB2_10:
0xa1: {  	p0 =	sne.s32 s4, $0x4E00;
	[tilespmem:s5+$0x1170] =	vst.add.f32.msk $0xffff, v15  }
0xa2: {  	[tilespmem:s5+$0x1100] =	vst.add.f32.msk $0xffff, v8  }
0xa3: {  	[tilespmem:s5+$0x1110] =	vst.add.f32.msk $0xffff, v9  }
.Ltmp4:
0xa4: {  	[tilespmem:s5+$0x1120] =	vst.add.f32.msk $0xffff, v10;
	(pc) =	sbr.rel @p0 .LBB2_10-.Ltmp4, $4  }
0xa5: {  	[tilespmem:s5+$0x1130] =	vst.add.f32.msk $0xffff, v11  }
0xa6: {  	[tilespmem:s5+$0x1140] =	vst.add.f32.msk $0xffff, v12  }
0xa7: {  	[tilespmem:s5+$0x1150] =	vst.add.f32.msk $0xffff, v13  }
0xa8: {  	[tilespmem:s5+$0x1160] =	vst.add.f32.msk $0xffff, v14;
	s5 =	sshra.s32 s4, $0x2;
	s4 =	sadd.s32 $0x200, s4  }
0xa9: {  	[tilespmem:s5+$0x1170] =	vst.add.f32.msk $0xffff, v15  }
0xaa: {  	[tilespmem:s5+$0x1100] =	vst.add.f32.msk $0xffff, v8  }
0xab: {  	[tilespmem:s5+$0x1110] =	vst.add.f32.msk $0xffff, v9  }
0xac: {  	[tilespmem:s5+$0x1120] =	vst.add.f32.msk $0xffff, v10  }
0xad: {  	[tilespmem:s5+$0x1130] =	vst.add.f32.msk $0xffff, v11  }
0xae: {  	[tilespmem:s5+$0x1140] =	vst.add.f32.msk $0xffff, v12  }
0xaf: {  	[tilespmem:s5+$0x1150] =	vst.add.f32.msk $0xffff, v13  }
0xb0: {  	[tilespmem:s5+$0x1160] =	vst.add.f32.msk $0xffff, v14  }
0xb1: {  	s4 =	rddreg [dreg:$0xd]  }
0xb2: {  	[hbm4b:s4+s20] =	stream.strided.scatter [tilespmem:s18], [sflag:$0xB], $0x1400, s24, s20, $0x38;
	[tilespmem:$0x8200] =	vst v63  }
0xb3: {  	_ =	swait.ge [sflag:s12], $0x1400  }
0xb4: {  	[sflag:s12] =	ssyncset.done $0x0  }
0xb5: {  	s5 =	simm.s32 $0x0;
	s4 =	simm.s32 $0x200;
	[sflag:s12] =	ssyncadd.s32 $0xFFFFEC00  }
.LBB2_12:
0xb6: {  	p0 =	sne.s32 s4, $0x4E00;
	[tilespmem:s5+$0x5170] =	vst.add.f32.msk $0xffff, v7  }
0xb7: {  	[tilespmem:s5+$0x5100] =	vst.add.f32.msk $0xffff, v0  }
0xb8: {  	[tilespmem:s5+$0x5110] =	vst.add.f32.msk $0xffff, v1  }
.Ltmp5:
0xb9: {  	[tilespmem:s5+$0x5120] =	vst.add.f32.msk $0xffff, v2;
	(pc) =	sbr.rel @p0 .LBB2_12-.Ltmp5, $4  }
0xba: {  	[tilespmem:s5+$0x5130] =	vst.add.f32.msk $0xffff, v3  }
0xbb: {  	[tilespmem:s5+$0x5140] =	vst.add.f32.msk $0xffff, v4  }
0xbc: {  	[tilespmem:s5+$0x5150] =	vst.add.f32.msk $0xffff, v5  }
0xbd: {  	[tilespmem:s5+$0x5160] =	vst.add.f32.msk $0xffff, v6;
	s5 =	sshra.s32 s4, $0x2;
	s4 =	sadd.s32 $0x200, s4  }
0xbe: {  	[tilespmem:s5+$0x5170] =	vst.add.f32.msk $0xffff, v7  }
0xbf: {  	[tilespmem:s5+$0x5100] =	vst.add.f32.msk $0xffff, v0  }
0xc0: {  	[tilespmem:s5+$0x5110] =	vst.add.f32.msk $0xffff, v1  }
0xc1: {  	[tilespmem:s5+$0x5120] =	vst.add.f32.msk $0xffff, v2  }
0xc2: {  	[tilespmem:s5+$0x5130] =	vst.add.f32.msk $0xffff, v3  }
0xc3: {  	[tilespmem:s5+$0x5140] =	vst.add.f32.msk $0xffff, v4  }
0xc4: {  	[tilespmem:s5+$0x5150] =	vst.add.f32.msk $0xffff, v5  }
0xc5: {  	[tilespmem:s5+$0x5160] =	vst.add.f32.msk $0xffff, v6  }
0xc6: {  	s29 =	simm.s32 $0x5100;
	s4 =	rddreg [dreg:$0xe]  }
0xc7: {  	[hbm4b:s4+s20] =	stream.strided.scatter [tilespmem:s29], [sflag:$0xF], $0x1400, s24, s20, $0x38;
	[tilespmem:$0x8200] =	vst v63  }
0xc8: {  	_ =	swait.ge [sflag:s13], $0x1C00  }
0xc9: {  	[sflag:s13] =	ssyncset.done $0x0  }
0xca: {  	s5 =	simm.s32 $0x0;
	s4 =	simm.s32 $0x200;
	[sflag:s13] =	ssyncadd.s32 $0xFFFFE400  }
.LBB2_14:
0xcb: {  	p0 =	sne.s32 s4, $0x6E00;
	[tilespmem:s5+$0x2570] =	vst.add.f32.msk $0xffff, v15  }
0xcc: {  	[tilespmem:s5+$0x2500] =	vst.add.f32.msk $0xffff, v8  }
0xcd: {  	[tilespmem:s5+$0x2510] =	vst.add.f32.msk $0xffff, v9  }
.Ltmp6:
0xce: {  	[tilespmem:s5+$0x2520] =	vst.add.f32.msk $0xffff, v10;
	(pc) =	sbr.rel @p0 .LBB2_14-.Ltmp6, $4  }
0xcf: {  	[tilespmem:s5+$0x2530] =	vst.add.f32.msk $0xffff, v11  }
0xd0: {  	[tilespmem:s5+$0x2540] =	vst.add.f32.msk $0xffff, v12  }
0xd1: {  	[tilespmem:s5+$0x2550] =	vst.add.f32.msk $0xffff, v13  }
0xd2: {  	[tilespmem:s5+$0x2560] =	vst.add.f32.msk $0xffff, v14;
	s5 =	sshra.s32 s4, $0x2;
	s4 =	sadd.s32 $0x200, s4  }
0xd3: {  	[tilespmem:s5+$0x2570] =	vst.add.f32.msk $0xffff, v15  }
0xd4: {  	[tilespmem:s5+$0x2500] =	vst.add.f32.msk $0xffff, v8  }
0xd5: {  	[tilespmem:s5+$0x2510] =	vst.add.f32.msk $0xffff, v9  }
0xd6: {  	[tilespmem:s5+$0x2520] =	vst.add.f32.msk $0xffff, v10  }
0xd7: {  	[tilespmem:s5+$0x2530] =	vst.add.f32.msk $0xffff, v11  }
0xd8: {  	[tilespmem:s5+$0x2540] =	vst.add.f32.msk $0xffff, v12  }
0xd9: {  	[tilespmem:s5+$0x2550] =	vst.add.f32.msk $0xffff, v13  }
0xda: {  	[tilespmem:s5+$0x2560] =	vst.add.f32.msk $0xffff, v14  }
0xdb: {  	s29 =	simm.s32 $0x2500;
	s4 =	rddreg [dreg:$0xf]  }
0xdc: {  	[hbm4b:s4+s20] =	stream.strided.scatter [tilespmem:s29], [sflag:$0xC], $0x1C00, s24, s20, $0x38;
	[tilespmem:$0x8200] =	vst v63  }
0xdd: {  	_ =	swait.ge [sflag:s23], $0x1C00  }
0xde: {  	[sflag:s23] =	ssyncset.done $0x0  }
0xdf: {  	s5 =	simm.s32 $0x0;
	s4 =	simm.s32 $0x200;
	[sflag:s23] =	ssyncadd.s32 $0xFFFFE400  }
.LBB2_16:
0xe0: {  	p0 =	sne.s32 s4, $0x6E00;
	[tilespmem:s5+$0x6570] =	vst.add.f32.msk $0xffff, v7  }
0xe1: {  	[tilespmem:s5+$0x6500] =	vst.add.f32.msk $0xffff, v0  }
0xe2: {  	[tilespmem:s5+$0x6510] =	vst.add.f32.msk $0xffff, v1  }
.Ltmp7:
0xe3: {  	[tilespmem:s5+$0x6520] =	vst.add.f32.msk $0xffff, v2;
	(pc) =	sbr.rel @p0 .LBB2_16-.Ltmp7, $4  }
0xe4: {  	[tilespmem:s5+$0x6530] =	vst.add.f32.msk $0xffff, v3  }
0xe5: {  	[tilespmem:s5+$0x6540] =	vst.add.f32.msk $0xffff, v4  }
0xe6: {  	[tilespmem:s5+$0x6550] =	vst.add.f32.msk $0xffff, v5  }
0xe7: {  	[tilespmem:s5+$0x6560] =	vst.add.f32.msk $0xffff, v6;
	s5 =	sshra.s32 s4, $0x2;
	s4 =	sadd.s32 $0x200, s4  }
0xe8: {  	[tilespmem:s5+$0x6570] =	vst.add.f32.msk $0xffff, v7  }
0xe9: {  	[tilespmem:s5+$0x6500] =	vst.add.f32.msk $0xffff, v0  }
0xea: {  	[tilespmem:s5+$0x6510] =	vst.add.f32.msk $0xffff, v1  }
0xeb: {  	[tilespmem:s5+$0x6520] =	vst.add.f32.msk $0xffff, v2  }
0xec: {  	[tilespmem:s5+$0x6530] =	vst.add.f32.msk $0xffff, v3  }
0xed: {  	[tilespmem:s5+$0x6540] =	vst.add.f32.msk $0xffff, v4  }
0xee: {  	[tilespmem:s5+$0x6550] =	vst.add.f32.msk $0xffff, v5  }
0xef: {  	[tilespmem:s5+$0x6560] =	vst.add.f32.msk $0xffff, v6  }
0xf0: {  	s4 =	rddreg [dreg:$0x10]  }
0xf1: {  	[hbm4b:s4+s20] =	stream.strided.scatter [tilespmem:s3], [sflag:$0x10], $0x1C00, s24, s20, $0x38;
	[tilespmem:$0x8200] =	vst v63  }
0xf2: {  	_ =	swait.ge [sflag:s14], $0x400  }
0xf3: {  	[sflag:s14] =	ssyncset.done $0x0  }
0xf4: {  	[sflag:s14] =	ssyncadd.s32 $0xFFFFFC00  }
0xf5: {  	_ =	swait.ge [sflag:s15], $0x400  }
0xf6: {  	[sflag:s15] =	ssyncset.done $0x0  }
0xf7: {  	[sflag:s15] =	ssyncadd.s32 $0xFFFFFC00  }
0xf8: {  	_ =	swait.ge [sflag:s16], $0xC00  }
0xf9: {  	[sflag:s16] =	ssyncset.done $0x0  }
0xfa: {  	[sflag:s16] =	ssyncadd.s32 $0xFFFFF400  }
0xfb: {  	_ =	swait.ge [sflag:s17], $0xC00  }
0xfc: {  	[sflag:s17] =	ssyncset.done $0x0  }
0xfd: {  	[sflag:s17] =	ssyncadd.s32 $0xFFFFF400  }
0xfe: {  	_ =	swait.ge [sflag:s25], $0x1400  }
0xff: {  	[sflag:s25] =	ssyncset.done $0x0  }
0x100: {  	[sflag:s25] =	ssyncadd.s32 $0xFFFFEC00  }
0x101: {  	_ =	swait.ge [sflag:s26], $0x1400  }
0x102: {  	[sflag:s26] =	ssyncset.done $0x0  }
0x103: {  	[sflag:s26] =	ssyncadd.s32 $0xFFFFEC00  }
0x104: {  	_ =	swait.ge [sflag:s28], $0x1C00  }
0x105: {  	[sflag:s28] =	ssyncset.done $0x0  }
0x106: {  	[sflag:s28] =	ssyncadd.s32 $0xFFFFE400  }
0x107: {  	_ =	swait.ge [sflag:s30], $0x1C00  }
0x108: {  	s31 =	sadd.s32 $0x1, s31;
	s29 =	rddreg [dreg:$0x11]  }
0x109: {  	p0 =	sne.s32 s31, s29  }
.Ltmp8:
0x10a: {  	_ = 	snop;
	(pc) =	sbr.rel @p0 .LBB2_1-.Ltmp8, $3  }
0x10b: {  	_ =	sdelay $0x1  }
0x10c: {  	[sflag:s30] =	ssyncset.done $0x0  }
0x10d: {  	[sflag:s30] =	ssyncadd.s32 $0xFFFFE400  }
0x10e: {  	_ =	sfence.sel $0x180000  }
0x10f: {  	[bflag:$0x0] =	sbarrier.arrive $0xFFFF  }
0x110: {  	_ =	strace $0x90000047  }
0x111: {  	s0 =	stileid.u32;
	[bflag:$0x2] =	sbarrier.arrive $0xFFFF  }
0x112: {  	p0 =	sne.s32 s0, $0x0;
	s0 =	rddreg [dreg:$0x7]  }
0x113: {  	s0 =	sadd.s32 @!p0 $0x100000, s0  }
0x114: {  	[sflag:s0] =	ssyncadd.tile.s32 @!p0 $0x1;
	_ =	shalt  }
.Lfunc_end2:
_tile_overlayer_lowered:
.L_overlay_start_2:
0x115: {  	(tag) =	ssettag $0x2  }
0x116: {  	s0 =	rddreg [dreg:$0x0];
	s2 =	stileid.u32  }
0x117: {  	s1 =	rddreg [dreg:$0x1];
	p0 =	sne.s32 s2, $0x0  }
0x118: {  	s3 =	rddreg [dreg:$0x2];
	[bflag:$0x3] =	sbarrier.arrive $0xFFFF;
	s2 =	simm.s32 @!p0 $0x1C14  }
0x119: {  	[timem:s3], [sflag:s2] =	dma.local @!p0 [hbm:s0], s1  }
0x11a: {  	s0 =	simm.s32 @!p0 $0x14  }
0x11b: {  	_ =	swait.ge @!p0 [sflag:s0], s1  }
0x11c: {  	s1 =	ssub.s32 @!p0 $0x0, s1;
	[sflag:s0] =	ssyncset.done @!p0 $0x0  }
0x11d: {  	[sflag:s0] =	ssyncadd.s32 @!p0 s1  }
0x11e: {  	[bflag:$0x3] =	sbarrier.arrive $0xFFFF  }
0x11f: {  	_ =	shalt  }

</sc_bundles>
